<compile_context>
chip_gen: v7x
topology: tpu7x:2x2x1
jax: 0.10.2.dev20260603
libtpu: 0.0.44.dev20260713+nightly
codegen_flags: <defaults>
</compile_context>

<pallas_src>
import functools

import jax
import jax.numpy as jnp
from jax import lax
from jax.experimental import pallas as pl
from jax.experimental.pallas import tpu as pltpu
from jax.experimental.pallas import tpu_sc as plsc

B = 4096
T = 200
DIM = 32
N = B * T
NC = 2
NS = 16
NW = NC * NS
PER_W = N // NW
CH = 128
NCH = PER_W // CH
NBUF = 8

_mesh = plsc.VectorSubcoreMesh(core_axis_name="c", subcore_axis_name="s")


@functools.partial(
    pl.kernel,
    mesh=_mesh,
    out_type=jax.ShapeDtypeStruct((NW, NCH, CH, DIM), jnp.float32),
    compiler_params=pltpu.CompilerParams(use_tc_tiling_on_sc=False),
    scratch_types=[
        pltpu.VMEM((NCH, CH), jnp.int32),
        pltpu.VMEM((NBUF, CH, DIM), jnp.float32),
    ]
    + [pltpu.SemaphoreType.DMA] * (2 * NBUF),
)
def _sc_gather(idx_hbm, table_hbm, out_hbm, idx_v, rows_v, *sems):
    gsem = sems[:NBUF]
    ssem = sems[NBUF:]
    wid = lax.axis_index("s") * NC + lax.axis_index("c")
    pltpu.sync_copy(idx_hbm.at[wid], idx_v)

    for b in range(NBUF):
        pltpu.async_copy(table_hbm.at[idx_v.at[b]], rows_v.at[b], gsem[b])

    def body(j0, carry):
        for b in range(NBUF):
            j = j0 + b
            pltpu.make_async_copy(
                table_hbm.at[idx_v.at[j]], rows_v.at[b], gsem[b]
            ).wait()
            pltpu.async_copy(rows_v.at[b], out_hbm.at[wid, j], ssem[b])
            nxt = j + NBUF

            @pl.when(nxt < NCH)
            def _():
                pltpu.make_async_copy(
                    rows_v.at[b], out_hbm.at[wid, j], ssem[b]
                ).wait()
                pltpu.async_copy(table_hbm.at[idx_v.at[nxt]], rows_v.at[b], gsem[b])

        return carry

    lax.fori_loop(0, NCH // NBUF, lambda i, c: body(i * NBUF, c), 0)

    for b in range(NBUF):
        pltpu.make_async_copy(
            rows_v.at[b], out_hbm.at[wid, NCH - NBUF + b], ssem[b]
        ).wait()


def kernel(x, table):
    idx = x.astype(jnp.int32).reshape(NW, NCH, CH)
    out = _sc_gather(idx, table)
    return out.reshape(B, T, DIM)

# --- scband reference (transcript-rebuilt; emitter-appended) ---
"""Pipeline reference for scband-token-embedding-9380208574755 (READ-ONLY COPY).

The authoritative reference and input builder live on the scoring server;
editing this copy changes nothing except your own understanding.
"""

import jax, jax.numpy as jnp
import numpy as np

VOCAB = 1000000
DIM = 32
B = 4096
T = 200

def setup_inputs(seed: int = 0) -> dict:
    key = jax.random.key(seed)
    k_idx, k_tab = jax.random.split(key)
    x = jax.random.randint(k_idx, (B, T), 0, VOCAB, dtype=jnp.int64 if jax.config.jax_enable_x64 else jnp.int32)
    table = jax.random.normal(k_tab, (VOCAB, DIM), dtype=jnp.float32)
    return {"x": x, "table": table}

def reference(x, table):
    # nn.Embedding forward: row gather from the embedding table
    return jnp.take(table, x, axis=0)

if __name__ == "__main__":
    import jax
    _d = setup_inputs()
    print(jax.jit(kernel)(*tuple(_d.values())))

</pallas_src>

<mosaic_0001>
#map = affine_map<(d0, d1) -> (0, 0, 0)>
#map1 = affine_map<(d0, d1) -> (0, 0)>
#map2 = affine_map<(d0, d1) -> (0, 0, 0, 0)>
module attributes {stable_mosaic.version = 14 : i64} {
  func.func @_sc_gather(%arg0: i32, %arg1: i32, %arg2: memref<32x200x128xi32, #tpu.memory_space<hbm>>, %arg3: memref<1000000x32xf32, #tpu.memory_space<hbm>>, %arg4: memref<32x200x128x32xf32, #tpu.memory_space<hbm>>, %arg5: memref<200x128xi32, #tpu.memory_space<vmem>>, %arg6: memref<8x128x32xf32, #tpu.memory_space<vmem>>, %arg7: memref<!tpu.dma_semaphore, #tpu.memory_space<semaphore_mem>>, %arg8: memref<!tpu.dma_semaphore, #tpu.memory_space<semaphore_mem>>, %arg9: memref<!tpu.dma_semaphore, #tpu.memory_space<semaphore_mem>>, %arg10: memref<!tpu.dma_semaphore, #tpu.memory_space<semaphore_mem>>, %arg11: memref<!tpu.dma_semaphore, #tpu.memory_space<semaphore_mem>>, %arg12: memref<!tpu.dma_semaphore, #tpu.memory_space<semaphore_mem>>, %arg13: memref<!tpu.dma_semaphore, #tpu.memory_space<semaphore_mem>>, %arg14: memref<!tpu.dma_semaphore, #tpu.memory_space<semaphore_mem>>, %arg15: memref<!tpu.dma_semaphore, #tpu.memory_space<semaphore_mem>>, %arg16: memref<!tpu.dma_semaphore, #tpu.memory_space<semaphore_mem>>, %arg17: memref<!tpu.dma_semaphore, #tpu.memory_space<semaphore_mem>>, %arg18: memref<!tpu.dma_semaphore, #tpu.memory_space<semaphore_mem>>, %arg19: memref<!tpu.dma_semaphore, #tpu.memory_space<semaphore_mem>>, %arg20: memref<!tpu.dma_semaphore, #tpu.memory_space<semaphore_mem>>, %arg21: memref<!tpu.dma_semaphore, #tpu.memory_space<semaphore_mem>>, %arg22: memref<!tpu.dma_semaphore, #tpu.memory_space<semaphore_mem>>) attributes {dimension_semantics = [#tpu.dimension_semantics<core_parallel>, #tpu.dimension_semantics<subcore_parallel>], iteration_bounds = array<i64: 2, 16>, scalar_prefetch = 0 : i64, scratch_operands = 18 : i64, tpu.core_type = #tpu.core_type<sc_vector_subcore>, window_params = [{transform_indices = #map}, {transform_indices = #map1}, {transform_indices = #map2}]} {
    %mul3A = arith.constant 2 : i32
    %mul3A_0 = arith.muli %arg1, %mul3A : i32
    %add3A = arith.addi %mul3A_0, %arg0 : i32
    "tpu.region"() ({
      %run_scoped3A = tpu.sem_alloc : memref<!tpu.dma_semaphore, #tpu.memory_space<semaphore_mem>>
      %dma_start3A_244 = arith.constant 0 : i32
      %dma_start3A_245 = arith.constant 0 : i32
      %dma_start3A_246 = tpu.memref_slice %arg2[%add3A, %dma_start3A_244, %dma_start3A_245] : memref<32x200x128xi32, #tpu.memory_space<hbm>> -> memref<1x200x128xi32, #tpu.memory_space<hbm>>
      %dma_start3A_247 = tpu.memref_squeeze %dma_start3A_246 : memref<1x200x128xi32, #tpu.memory_space<hbm>> -> memref<200x128xi32, #tpu.memory_space<hbm>>
      %dma_start3A_248 = arith.constant 0 : i32
      %dma_start3A_249 = arith.constant 0 : i32
      %dma_start3A_250 = tpu.memref_slice %arg2[%add3A, %dma_start3A_248, %dma_start3A_249] : memref<32x200x128xi32, #tpu.memory_space<hbm>> -> memref<1x200x128xi32, #tpu.memory_space<hbm>>
      %dma_start3A_251 = tpu.memref_squeeze %dma_start3A_250 : memref<1x200x128xi32, #tpu.memory_space<hbm>> -> memref<200x128xi32, #tpu.memory_space<hbm>>
      tpu.enqueue_dma source(%dma_start3A_251 : memref<200x128xi32, #tpu.memory_space<hbm>>) target(%arg5 : memref<200x128xi32, #tpu.memory_space<vmem>>) target_semaphore(%run_scoped3A : memref<!tpu.dma_semaphore, #tpu.memory_space<semaphore_mem>>)
      %dma_wait3A_252 = arith.constant 0 : i32
      %dma_wait3A_253 = arith.constant 0 : i32
      %dma_wait3A_254 = tpu.memref_slice %arg2[%add3A, %dma_wait3A_252, %dma_wait3A_253] : memref<32x200x128xi32, #tpu.memory_space<hbm>> -> memref<1x200x128xi32, #tpu.memory_space<hbm>>
      %dma_wait3A_255 = tpu.memref_squeeze %dma_wait3A_254 : memref<1x200x128xi32, #tpu.memory_space<hbm>> -> memref<200x128xi32, #tpu.memory_space<hbm>>
      %dma_wait3A_256 = arith.constant 0 : i32
      %dma_wait3A_257 = arith.constant 0 : i32
      %dma_wait3A_258 = tpu.memref_slice %arg2[%add3A, %dma_wait3A_256, %dma_wait3A_257] : memref<32x200x128xi32, #tpu.memory_space<hbm>> -> memref<1x200x128xi32, #tpu.memory_space<hbm>>
      %dma_wait3A_259 = tpu.memref_squeeze %dma_wait3A_258 : memref<1x200x128xi32, #tpu.memory_space<hbm>> -> memref<200x128xi32, #tpu.memory_space<hbm>>
      tpu.wait_dma2 semaphore(%run_scoped3A : memref<!tpu.dma_semaphore, #tpu.memory_space<semaphore_mem>>) src(%dma_wait3A_259 : memref<200x128xi32, #tpu.memory_space<hbm>>) dst(%arg5 : memref<200x128xi32, #tpu.memory_space<vmem>>)
      tpu.yield
    }) : () -> ()
    %dma_start3A = arith.constant 0 : i32
    %dma_start3A_1 = arith.constant 0 : i32
    %dma_start3A_2 = arith.constant 0 : i32
    %dma_start3A_3 = arith.constant 0 : i32
    %dma_start3A_4 = tpu.memref_slice %arg6[%dma_start3A_1, %dma_start3A_2, %dma_start3A_3] : memref<8x128x32xf32, #tpu.memory_space<vmem>> -> memref<1x128x32xf32, #tpu.memory_space<vmem>>
    %dma_start3A_5 = tpu.memref_squeeze %dma_start3A_4 : memref<1x128x32xf32, #tpu.memory_space<vmem>> -> memref<128x32xf32, #tpu.memory_space<vmem>>
    %dma_start3A_6 = arith.constant 0 : i32
    %dma_start3A_7 = tpu.memref_slice %arg5[%dma_start3A, %dma_start3A_6] : memref<200x128xi32, #tpu.memory_space<vmem>> -> memref<1x128xi32, #tpu.memory_space<vmem>>
    %dma_start3A_8 = tpu.memref_squeeze %dma_start3A_7 : memref<1x128xi32, #tpu.memory_space<vmem>> -> memref<128xi32, #tpu.memory_space<vmem>>
    %dma_start3A_9 = arith.constant 0 : i32
    %dma_start3A_10 = arith.constant 0 : i32
    %dma_start3A_11 = tpu.memref_slice %arg3[%dma_start3A_9, %dma_start3A_10] : memref<1000000x32xf32, #tpu.memory_space<hbm>> -> memref<1000000x32xf32, #tpu.memory_space<hbm>>
    tpu.enqueue_indirect_dma source(%dma_start3A_11 : memref<1000000x32xf32, #tpu.memory_space<hbm>>) target(%dma_start3A_5 : memref<128x32xf32, #tpu.memory_space<vmem>>) offsets(%dma_start3A_8 : memref<128xi32, #tpu.memory_space<vmem>>) semaphore(%arg7 : memref<!tpu.dma_semaphore, #tpu.memory_space<semaphore_mem>>)
    %dma_start3A_12 = arith.constant 1 : i32
    %dma_start3A_13 = arith.constant 1 : i32
    %dma_start3A_14 = arith.constant 0 : i32
    %dma_start3A_15 = arith.constant 0 : i32
    %dma_start3A_16 = tpu.memref_slice %arg6[%dma_start3A_13, %dma_start3A_14, %dma_start3A_15] : memref<8x128x32xf32, #tpu.memory_space<vmem>> -> memref<1x128x32xf32, #tpu.memory_space<vmem>>
    %dma_start3A_17 = tpu.memref_squeeze %dma_start3A_16 : memref<1x128x32xf32, #tpu.memory_space<vmem>> -> memref<128x32xf32, #tpu.memory_space<vmem>>
    %dma_start3A_18 = arith.constant 0 : i32
    %dma_start3A_19 = tpu.memref_slice %arg5[%dma_start3A_12, %dma_start3A_18] : memref<200x128xi32, #tpu.memory_space<vmem>> -> memref<1x128xi32, #tpu.memory_space<vmem>>
    %dma_start3A_20 = tpu.memref_squeeze %dma_start3A_19 : memref<1x128xi32, #tpu.memory_space<vmem>> -> memref<128xi32, #tpu.memory_space<vmem>>
    %dma_start3A_21 = arith.constant 0 : i32
    %dma_start3A_22 = arith.constant 0 : i32
    %dma_start3A_23 = tpu.memref_slice %arg3[%dma_start3A_21, %dma_start3A_22] : memref<1000000x32xf32, #tpu.memory_space<hbm>> -> memref<1000000x32xf32, #tpu.memory_space<hbm>>
    tpu.enqueue_indirect_dma source(%dma_start3A_23 : memref<1000000x32xf32, #tpu.memory_space<hbm>>) target(%dma_start3A_17 : memref<128x32xf32, #tpu.memory_space<vmem>>) offsets(%dma_start3A_20 : memref<128xi32, #tpu.memory_space<vmem>>) semaphore(%arg8 : memref<!tpu.dma_semaphore, #tpu.memory_space<semaphore_mem>>)
    %dma_start3A_24 = arith.constant 2 : i32
    %dma_start3A_25 = arith.constant 2 : i32
    %dma_start3A_26 = arith.constant 0 : i32
    %dma_start3A_27 = arith.constant 0 : i32
    %dma_start3A_28 = tpu.memref_slice %arg6[%dma_start3A_25, %dma_start3A_26, %dma_start3A_27] : memref<8x128x32xf32, #tpu.memory_space<vmem>> -> memref<1x128x32xf32, #tpu.memory_space<vmem>>
    %dma_start3A_29 = tpu.memref_squeeze %dma_start3A_28 : memref<1x128x32xf32, #tpu.memory_space<vmem>> -> memref<128x32xf32, #tpu.memory_space<vmem>>
    %dma_start3A_30 = arith.constant 0 : i32
    %dma_start3A_31 = tpu.memref_slice %arg5[%dma_start3A_24, %dma_start3A_30] : memref<200x128xi32, #tpu.memory_space<vmem>> -> memref<1x128xi32, #tpu.memory_space<vmem>>
    %dma_start3A_32 = tpu.memref_squeeze %dma_start3A_31 : memref<1x128xi32, #tpu.memory_space<vmem>> -> memref<128xi32, #tpu.memory_space<vmem>>
    %dma_start3A_33 = arith.constant 0 : i32
    %dma_start3A_34 = arith.constant 0 : i32
    %dma_start3A_35 = tpu.memref_slice %arg3[%dma_start3A_33, %dma_start3A_34] : memref<1000000x32xf32, #tpu.memory_space<hbm>> -> memref<1000000x32xf32, #tpu.memory_space<hbm>>
    tpu.enqueue_indirect_dma source(%dma_start3A_35 : memref<1000000x32xf32, #tpu.memory_space<hbm>>) target(%dma_start3A_29 : memref<128x32xf32, #tpu.memory_space<vmem>>) offsets(%dma_start3A_32 : memref<128xi32, #tpu.memory_space<vmem>>) semaphore(%arg9 : memref<!tpu.dma_semaphore, #tpu.memory_space<semaphore_mem>>)
    %dma_start3A_36 = arith.constant 3 : i32
    %dma_start3A_37 = arith.constant 3 : i32
    %dma_start3A_38 = arith.constant 0 : i32
    %dma_start3A_39 = arith.constant 0 : i32
    %dma_start3A_40 = tpu.memref_slice %arg6[%dma_start3A_37, %dma_start3A_38, %dma_start3A_39] : memref<8x128x32xf32, #tpu.memory_space<vmem>> -> memref<1x128x32xf32, #tpu.memory_space<vmem>>
    %dma_start3A_41 = tpu.memref_squeeze %dma_start3A_40 : memref<1x128x32xf32, #tpu.memory_space<vmem>> -> memref<128x32xf32, #tpu.memory_space<vmem>>
    %dma_start3A_42 = arith.constant 0 : i32
    %dma_start3A_43 = tpu.memref_slice %arg5[%dma_start3A_36, %dma_start3A_42] : memref<200x128xi32, #tpu.memory_space<vmem>> -> memref<1x128xi32, #tpu.memory_space<vmem>>
    %dma_start3A_44 = tpu.memref_squeeze %dma_start3A_43 : memref<1x128xi32, #tpu.memory_space<vmem>> -> memref<128xi32, #tpu.memory_space<vmem>>
    %dma_start3A_45 = arith.constant 0 : i32
    %dma_start3A_46 = arith.constant 0 : i32
    %dma_start3A_47 = tpu.memref_slice %arg3[%dma_start3A_45, %dma_start3A_46] : memref<1000000x32xf32, #tpu.memory_space<hbm>> -> memref<1000000x32xf32, #tpu.memory_space<hbm>>
    tpu.enqueue_indirect_dma source(%dma_start3A_47 : memref<1000000x32xf32, #tpu.memory_space<hbm>>) target(%dma_start3A_41 : memref<128x32xf32, #tpu.memory_space<vmem>>) offsets(%dma_start3A_44 : memref<128xi32, #tpu.memory_space<vmem>>) semaphore(%arg10 : memref<!tpu.dma_semaphore, #tpu.memory_space<semaphore_mem>>)
    %dma_start3A_48 = arith.constant 4 : i32
    %dma_start3A_49 = arith.constant 4 : i32
    %dma_start3A_50 = arith.constant 0 : i32
    %dma_start3A_51 = arith.constant 0 : i32
    %dma_start3A_52 = tpu.memref_slice %arg6[%dma_start3A_49, %dma_start3A_50, %dma_start3A_51] : memref<8x128x32xf32, #tpu.memory_space<vmem>> -> memref<1x128x32xf32, #tpu.memory_space<vmem>>
    %dma_start3A_53 = tpu.memref_squeeze %dma_start3A_52 : memref<1x128x32xf32, #tpu.memory_space<vmem>> -> memref<128x32xf32, #tpu.memory_space<vmem>>
    %dma_start3A_54 = arith.constant 0 : i32
    %dma_start3A_55 = tpu.memref_slice %arg5[%dma_start3A_48, %dma_start3A_54] : memref<200x128xi32, #tpu.memory_space<vmem>> -> memref<1x128xi32, #tpu.memory_space<vmem>>
    %dma_start3A_56 = tpu.memref_squeeze %dma_start3A_55 : memref<1x128xi32, #tpu.memory_space<vmem>> -> memref<128xi32, #tpu.memory_space<vmem>>
    %dma_start3A_57 = arith.constant 0 : i32
    %dma_start3A_58 = arith.constant 0 : i32
    %dma_start3A_59 = tpu.memref_slice %arg3[%dma_start3A_57, %dma_start3A_58] : memref<1000000x32xf32, #tpu.memory_space<hbm>> -> memref<1000000x32xf32, #tpu.memory_space<hbm>>
    tpu.enqueue_indirect_dma source(%dma_start3A_59 : memref<1000000x32xf32, #tpu.memory_space<hbm>>) target(%dma_start3A_53 : memref<128x32xf32, #tpu.memory_space<vmem>>) offsets(%dma_start3A_56 : memref<128xi32, #tpu.memory_space<vmem>>) semaphore(%arg11 : memref<!tpu.dma_semaphore, #tpu.memory_space<semaphore_mem>>)
    %dma_start3A_60 = arith.constant 5 : i32
    %dma_start3A_61 = arith.constant 5 : i32
    %dma_start3A_62 = arith.constant 0 : i32
    %dma_start3A_63 = arith.constant 0 : i32
    %dma_start3A_64 = tpu.memref_slice %arg6[%dma_start3A_61, %dma_start3A_62, %dma_start3A_63] : memref<8x128x32xf32, #tpu.memory_space<vmem>> -> memref<1x128x32xf32, #tpu.memory_space<vmem>>
    %dma_start3A_65 = tpu.memref_squeeze %dma_start3A_64 : memref<1x128x32xf32, #tpu.memory_space<vmem>> -> memref<128x32xf32, #tpu.memory_space<vmem>>
    %dma_start3A_66 = arith.constant 0 : i32
    %dma_start3A_67 = tpu.memref_slice %arg5[%dma_start3A_60, %dma_start3A_66] : memref<200x128xi32, #tpu.memory_space<vmem>> -> memref<1x128xi32, #tpu.memory_space<vmem>>
    %dma_start3A_68 = tpu.memref_squeeze %dma_start3A_67 : memref<1x128xi32, #tpu.memory_space<vmem>> -> memref<128xi32, #tpu.memory_space<vmem>>
    %dma_start3A_69 = arith.constant 0 : i32
    %dma_start3A_70 = arith.constant 0 : i32
    %dma_start3A_71 = tpu.memref_slice %arg3[%dma_start3A_69, %dma_start3A_70] : memref<1000000x32xf32, #tpu.memory_space<hbm>> -> memref<1000000x32xf32, #tpu.memory_space<hbm>>
    tpu.enqueue_indirect_dma source(%dma_start3A_71 : memref<1000000x32xf32, #tpu.memory_space<hbm>>) target(%dma_start3A_65 : memref<128x32xf32, #tpu.memory_space<vmem>>) offsets(%dma_start3A_68 : memref<128xi32, #tpu.memory_space<vmem>>) semaphore(%arg12 : memref<!tpu.dma_semaphore, #tpu.memory_space<semaphore_mem>>)
    %dma_start3A_72 = arith.constant 6 : i32
    %dma_start3A_73 = arith.constant 6 : i32
    %dma_start3A_74 = arith.constant 0 : i32
    %dma_start3A_75 = arith.constant 0 : i32
    %dma_start3A_76 = tpu.memref_slice %arg6[%dma_start3A_73, %dma_start3A_74, %dma_start3A_75] : memref<8x128x32xf32, #tpu.memory_space<vmem>> -> memref<1x128x32xf32, #tpu.memory_space<vmem>>
    %dma_start3A_77 = tpu.memref_squeeze %dma_start3A_76 : memref<1x128x32xf32, #tpu.memory_space<vmem>> -> memref<128x32xf32, #tpu.memory_space<vmem>>
    %dma_start3A_78 = arith.constant 0 : i32
    %dma_start3A_79 = tpu.memref_slice %arg5[%dma_start3A_72, %dma_start3A_78] : memref<200x128xi32, #tpu.memory_space<vmem>> -> memref<1x128xi32, #tpu.memory_space<vmem>>
    %dma_start3A_80 = tpu.memref_squeeze %dma_start3A_79 : memref<1x128xi32, #tpu.memory_space<vmem>> -> memref<128xi32, #tpu.memory_space<vmem>>
    %dma_start3A_81 = arith.constant 0 : i32
    %dma_start3A_82 = arith.constant 0 : i32
    %dma_start3A_83 = tpu.memref_slice %arg3[%dma_start3A_81, %dma_start3A_82] : memref<1000000x32xf32, #tpu.memory_space<hbm>> -> memref<1000000x32xf32, #tpu.memory_space<hbm>>
    tpu.enqueue_indirect_dma source(%dma_start3A_83 : memref<1000000x32xf32, #tpu.memory_space<hbm>>) target(%dma_start3A_77 : memref<128x32xf32, #tpu.memory_space<vmem>>) offsets(%dma_start3A_80 : memref<128xi32, #tpu.memory_space<vmem>>) semaphore(%arg13 : memref<!tpu.dma_semaphore, #tpu.memory_space<semaphore_mem>>)
    %dma_start3A_84 = arith.constant 7 : i32
    %dma_start3A_85 = arith.constant 7 : i32
    %dma_start3A_86 = arith.constant 0 : i32
    %dma_start3A_87 = arith.constant 0 : i32
    %dma_start3A_88 = tpu.memref_slice %arg6[%dma_start3A_85, %dma_start3A_86, %dma_start3A_87] : memref<8x128x32xf32, #tpu.memory_space<vmem>> -> memref<1x128x32xf32, #tpu.memory_space<vmem>>
    %dma_start3A_89 = tpu.memref_squeeze %dma_start3A_88 : memref<1x128x32xf32, #tpu.memory_space<vmem>> -> memref<128x32xf32, #tpu.memory_space<vmem>>
    %dma_start3A_90 = arith.constant 0 : i32
    %dma_start3A_91 = tpu.memref_slice %arg5[%dma_start3A_84, %dma_start3A_90] : memref<200x128xi32, #tpu.memory_space<vmem>> -> memref<1x128xi32, #tpu.memory_space<vmem>>
    %dma_start3A_92 = tpu.memref_squeeze %dma_start3A_91 : memref<1x128xi32, #tpu.memory_space<vmem>> -> memref<128xi32, #tpu.memory_space<vmem>>
    %dma_start3A_93 = arith.constant 0 : i32
    %dma_start3A_94 = arith.constant 0 : i32
    %dma_start3A_95 = tpu.memref_slice %arg3[%dma_start3A_93, %dma_start3A_94] : memref<1000000x32xf32, #tpu.memory_space<hbm>> -> memref<1000000x32xf32, #tpu.memory_space<hbm>>
    tpu.enqueue_indirect_dma source(%dma_start3A_95 : memref<1000000x32xf32, #tpu.memory_space<hbm>>) target(%dma_start3A_89 : memref<128x32xf32, #tpu.memory_space<vmem>>) offsets(%dma_start3A_92 : memref<128xi32, #tpu.memory_space<vmem>>) semaphore(%arg14 : memref<!tpu.dma_semaphore, #tpu.memory_space<semaphore_mem>>)
    %scan3A = arith.constant 0 : i32
    %scan3A_96 = arith.constant 0 : i32
    %scan3A_97 = arith.constant 25 : i32
    %scan3A_98 = arith.addi %scan3A_96, %scan3A_97 : i32
    %scan3A_99 = arith.constant 1 : i32
    scf.for %scan3A_244 = %scan3A_96 to %scan3A_98 step %scan3A_99  : i32 {
      %mul3A_245 = arith.constant 8 : i32
      %mul3A_246 = arith.muli %scan3A_244, %mul3A_245 : i32
      %add3A_247 = arith.constant 0 : i32
      %add3A_248 = arith.addi %mul3A_246, %add3A_247 : i32
      %dma_wait3A_249 = arith.constant 0 : i32
      %dma_wait3A_250 = arith.constant 0 : i32
      %dma_wait3A_251 = arith.constant 0 : i32
      %dma_wait3A_252 = tpu.memref_slice %arg6[%dma_wait3A_249, %dma_wait3A_250, %dma_wait3A_251] : memref<8x128x32xf32, #tpu.memory_space<vmem>> -> memref<1x128x32xf32, #tpu.memory_space<vmem>>
      %dma_wait3A_253 = tpu.memref_squeeze %dma_wait3A_252 : memref<1x128x32xf32, #tpu.memory_space<vmem>> -> memref<128x32xf32, #tpu.memory_space<vmem>>
      %dma_wait3A_254 = arith.constant 0 : i32
      %dma_wait3A_255 = tpu.memref_slice %arg5[%add3A_248, %dma_wait3A_254] : memref<200x128xi32, #tpu.memory_space<vmem>> -> memref<1x128xi32, #tpu.memory_space<vmem>>
      %dma_wait3A_256 = tpu.memref_squeeze %dma_wait3A_255 : memref<1x128xi32, #tpu.memory_space<vmem>> -> memref<128xi32, #tpu.memory_space<vmem>>
      %dma_wait3A_257 = arith.constant 0 : i32
      %dma_wait3A_258 = arith.constant 0 : i32
      %dma_wait3A_259 = tpu.memref_slice %arg3[%dma_wait3A_257, %dma_wait3A_258] : memref<1000000x32xf32, #tpu.memory_space<hbm>> -> memref<1000000x32xf32, #tpu.memory_space<hbm>>
      tpu.wait_indirect_dma semaphore(%arg7 : memref<!tpu.dma_semaphore, #tpu.memory_space<semaphore_mem>>) src(%dma_wait3A_259 : memref<1000000x32xf32, #tpu.memory_space<hbm>>) dst(%dma_wait3A_253 : memref<128x32xf32, #tpu.memory_space<vmem>>)
      %dma_start3A_260 = arith.constant 0 : i32
      %dma_start3A_261 = arith.constant 0 : i32
      %dma_start3A_262 = arith.constant 0 : i32
      %dma_start3A_263 = tpu.memref_slice %arg6[%dma_start3A_260, %dma_start3A_261, %dma_start3A_262] : memref<8x128x32xf32, #tpu.memory_space<vmem>> -> memref<1x128x32xf32, #tpu.memory_space<vmem>>
      %dma_start3A_264 = tpu.memref_squeeze %dma_start3A_263 : memref<1x128x32xf32, #tpu.memory_space<vmem>> -> memref<128x32xf32, #tpu.memory_space<vmem>>
      %dma_start3A_265 = arith.constant 0 : i32
      %dma_start3A_266 = arith.constant 0 : i32
      %dma_start3A_267 = tpu.memref_slice %arg4[%add3A, %add3A_248, %dma_start3A_265, %dma_start3A_266] : memref<32x200x128x32xf32, #tpu.memory_space<hbm>> -> memref<1x1x128x32xf32, #tpu.memory_space<hbm>>
      %dma_start3A_268 = tpu.memref_squeeze %dma_start3A_267 : memref<1x1x128x32xf32, #tpu.memory_space<hbm>> -> memref<128x32xf32, #tpu.memory_space<hbm>>
      %dma_start3A_269 = arith.constant 0 : i32
      %dma_start3A_270 = arith.constant 0 : i32
      %dma_start3A_271 = tpu.memref_slice %arg4[%add3A, %add3A_248, %dma_start3A_269, %dma_start3A_270] : memref<32x200x128x32xf32, #tpu.memory_space<hbm>> -> memref<1x1x128x32xf32, #tpu.memory_space<hbm>>
      %dma_start3A_272 = tpu.memref_squeeze %dma_start3A_271 : memref<1x1x128x32xf32, #tpu.memory_space<hbm>> -> memref<128x32xf32, #tpu.memory_space<hbm>>
      %dma_start3A_273 = arith.constant 0 : i32
      %dma_start3A_274 = arith.constant 0 : i32
      %dma_start3A_275 = tpu.memref_slice %arg6[%dma_start3A_260, %dma_start3A_273, %dma_start3A_274] : memref<8x128x32xf32, #tpu.memory_space<vmem>> -> memref<1x128x32xf32, #tpu.memory_space<vmem>>
      %dma_start3A_276 = tpu.memref_squeeze %dma_start3A_275 : memref<1x128x32xf32, #tpu.memory_space<vmem>> -> memref<128x32xf32, #tpu.memory_space<vmem>>
      tpu.enqueue_dma source(%dma_start3A_276 : memref<128x32xf32, #tpu.memory_space<vmem>>) target(%dma_start3A_272 : memref<128x32xf32, #tpu.memory_space<hbm>>) target_semaphore(%arg15 : memref<!tpu.dma_semaphore, #tpu.memory_space<semaphore_mem>>)
      %add3A_277 = arith.constant 8 : i32
      %add3A_278 = arith.addi %add3A_248, %add3A_277 : i32
      %lt3A = arith.constant 200 : i32
      %lt3A_279 = arith.cmpi slt, %add3A_278, %lt3A : i32
      %convert_element_type3A = arith.extui %lt3A_279 : i1 to i32
      %cond3A = arith.constant 0 : i32
      %cond3A_280 = arith.cmpi ne, %convert_element_type3A, %cond3A : i32
      scf.if %cond3A_280 {
        %dma_wait3A_540 = arith.constant 0 : i32
        %dma_wait3A_541 = arith.constant 0 : i32
        %dma_wait3A_542 = arith.constant 0 : i32
        %dma_wait3A_543 = tpu.memref_slice %arg6[%dma_wait3A_540, %dma_wait3A_541, %dma_wait3A_542] : memref<8x128x32xf32, #tpu.memory_space<vmem>> -> memref<1x128x32xf32, #tpu.memory_space<vmem>>
        %dma_wait3A_544 = tpu.memref_squeeze %dma_wait3A_543 : memref<1x128x32xf32, #tpu.memory_space<vmem>> -> memref<128x32xf32, #tpu.memory_space<vmem>>
        %dma_wait3A_545 = arith.constant 0 : i32
        %dma_wait3A_546 = arith.constant 0 : i32
        %dma_wait3A_547 = tpu.memref_slice %arg4[%add3A, %add3A_248, %dma_wait3A_545, %dma_wait3A_546] : memref<32x200x128x32xf32, #tpu.memory_space<hbm>> -> memref<1x1x128x32xf32, #tpu.memory_space<hbm>>
        %dma_wait3A_548 = tpu.memref_squeeze %dma_wait3A_547 : memref<1x1x128x32xf32, #tpu.memory_space<hbm>> -> memref<128x32xf32, #tpu.memory_space<hbm>>
        %dma_wait3A_549 = arith.constant 0 : i32
        %dma_wait3A_550 = arith.constant 0 : i32
        %dma_wait3A_551 = tpu.memref_slice %arg4[%add3A, %add3A_248, %dma_wait3A_549, %dma_wait3A_550] : memref<32x200x128x32xf32, #tpu.memory_space<hbm>> -> memref<1x1x128x32xf32, #tpu.memory_space<hbm>>
        %dma_wait3A_552 = tpu.memref_squeeze %dma_wait3A_551 : memref<1x1x128x32xf32, #tpu.memory_space<hbm>> -> memref<128x32xf32, #tpu.memory_space<hbm>>
        %dma_wait3A_553 = arith.constant 0 : i32
        %dma_wait3A_554 = arith.constant 0 : i32
        %dma_wait3A_555 = tpu.memref_slice %arg6[%dma_wait3A_540, %dma_wait3A_553, %dma_wait3A_554] : memref<8x128x32xf32, #tpu.memory_space<vmem>> -> memref<1x128x32xf32, #tpu.memory_space<vmem>>
        %dma_wait3A_556 = tpu.memref_squeeze %dma_wait3A_555 : memref<1x128x32xf32, #tpu.memory_space<vmem>> -> memref<128x32xf32, #tpu.memory_space<vmem>>
        tpu.wait_dma2 semaphore(%arg15 : memref<!tpu.dma_semaphore, #tpu.memory_space<semaphore_mem>>) src(%dma_wait3A_556 : memref<128x32xf32, #tpu.memory_space<vmem>>) dst(%dma_wait3A_552 : memref<128x32xf32, #tpu.memory_space<hbm>>)
        %dma_start3A_557 = arith.constant 0 : i32
        %dma_start3A_558 = arith.constant 0 : i32
        %dma_start3A_559 = arith.constant 0 : i32
        %dma_start3A_560 = tpu.memref_slice %arg6[%dma_start3A_557, %dma_start3A_558, %dma_start3A_559] : memref<8x128x32xf32, #tpu.memory_space<vmem>> -> memref<1x128x32xf32, #tpu.memory_space<vmem>>
        %dma_start3A_561 = tpu.memref_squeeze %dma_start3A_560 : memref<1x128x32xf32, #tpu.memory_space<vmem>> -> memref<128x32xf32, #tpu.memory_space<vmem>>
        %dma_start3A_562 = arith.constant 0 : i32
        %dma_start3A_563 = tpu.memref_slice %arg5[%add3A_278, %dma_start3A_562] : memref<200x128xi32, #tpu.memory_space<vmem>> -> memref<1x128xi32, #tpu.memory_space<vmem>>
        %dma_start3A_564 = tpu.memref_squeeze %dma_start3A_563 : memref<1x128xi32, #tpu.memory_space<vmem>> -> memref<128xi32, #tpu.memory_space<vmem>>
        %dma_start3A_565 = arith.constant 0 : i32
        %dma_start3A_566 = arith.constant 0 : i32
        %dma_start3A_567 = tpu.memref_slice %arg3[%dma_start3A_565, %dma_start3A_566] : memref<1000000x32xf32, #tpu.memory_space<hbm>> -> memref<1000000x32xf32, #tpu.memory_space<hbm>>
        tpu.enqueue_indirect_dma source(%dma_start3A_567 : memref<1000000x32xf32, #tpu.memory_space<hbm>>) target(%dma_start3A_561 : memref<128x32xf32, #tpu.memory_space<vmem>>) offsets(%dma_start3A_564 : memref<128xi32, #tpu.memory_space<vmem>>) semaphore(%arg7 : memref<!tpu.dma_semaphore, #tpu.memory_space<semaphore_mem>>)
      } else {
      }
      %add3A_281 = arith.constant 1 : i32
      %add3A_282 = arith.addi %mul3A_246, %add3A_281 : i32
      %dma_wait3A_283 = arith.constant 1 : i32
      %dma_wait3A_284 = arith.constant 0 : i32
      %dma_wait3A_285 = arith.constant 0 : i32
      %dma_wait3A_286 = tpu.memref_slice %arg6[%dma_wait3A_283, %dma_wait3A_284, %dma_wait3A_285] : memref<8x128x32xf32, #tpu.memory_space<vmem>> -> memref<1x128x32xf32, #tpu.memory_space<vmem>>
      %dma_wait3A_287 = tpu.memref_squeeze %dma_wait3A_286 : memref<1x128x32xf32, #tpu.memory_space<vmem>> -> memref<128x32xf32, #tpu.memory_space<vmem>>
      %dma_wait3A_288 = arith.constant 0 : i32
      %dma_wait3A_289 = tpu.memref_slice %arg5[%add3A_282, %dma_wait3A_288] : memref<200x128xi32, #tpu.memory_space<vmem>> -> memref<1x128xi32, #tpu.memory_space<vmem>>
      %dma_wait3A_290 = tpu.memref_squeeze %dma_wait3A_289 : memref<1x128xi32, #tpu.memory_space<vmem>> -> memref<128xi32, #tpu.memory_space<vmem>>
      %dma_wait3A_291 = arith.constant 0 : i32
      %dma_wait3A_292 = arith.constant 0 : i32
      %dma_wait3A_293 = tpu.memref_slice %arg3[%dma_wait3A_291, %dma_wait3A_292] : memref<1000000x32xf32, #tpu.memory_space<hbm>> -> memref<1000000x32xf32, #tpu.memory_space<hbm>>
      tpu.wait_indirect_dma semaphore(%arg8 : memref<!tpu.dma_semaphore, #tpu.memory_space<semaphore_mem>>) src(%dma_wait3A_293 : memref<1000000x32xf32, #tpu.memory_space<hbm>>) dst(%dma_wait3A_287 : memref<128x32xf32, #tpu.memory_space<vmem>>)
      %dma_start3A_294 = arith.constant 1 : i32
      %dma_start3A_295 = arith.constant 0 : i32
      %dma_start3A_296 = arith.constant 0 : i32
      %dma_start3A_297 = tpu.memref_slice %arg6[%dma_start3A_294, %dma_start3A_295, %dma_start3A_296] : memref<8x128x32xf32, #tpu.memory_space<vmem>> -> memref<1x128x32xf32, #tpu.memory_space<vmem>>
      %dma_start3A_298 = tpu.memref_squeeze %dma_start3A_297 : memref<1x128x32xf32, #tpu.memory_space<vmem>> -> memref<128x32xf32, #tpu.memory_space<vmem>>
      %dma_start3A_299 = arith.constant 0 : i32
      %dma_start3A_300 = arith.constant 0 : i32
      %dma_start3A_301 = tpu.memref_slice %arg4[%add3A, %add3A_282, %dma_start3A_299, %dma_start3A_300] : memref<32x200x128x32xf32, #tpu.memory_space<hbm>> -> memref<1x1x128x32xf32, #tpu.memory_space<hbm>>
      %dma_start3A_302 = tpu.memref_squeeze %dma_start3A_301 : memref<1x1x128x32xf32, #tpu.memory_space<hbm>> -> memref<128x32xf32, #tpu.memory_space<hbm>>
      %dma_start3A_303 = arith.constant 0 : i32
      %dma_start3A_304 = arith.constant 0 : i32
      %dma_start3A_305 = tpu.memref_slice %arg4[%add3A, %add3A_282, %dma_start3A_303, %dma_start3A_304] : memref<32x200x128x32xf32, #tpu.memory_space<hbm>> -> memref<1x1x128x32xf32, #tpu.memory_space<hbm>>
      %dma_start3A_306 = tpu.memref_squeeze %dma_start3A_305 : memref<1x1x128x32xf32, #tpu.memory_space<hbm>> -> memref<128x32xf32, #tpu.memory_space<hbm>>
      %dma_start3A_307 = arith.constant 0 : i32
      %dma_start3A_308 = arith.constant 0 : i32
      %dma_start3A_309 = tpu.memref_slice %arg6[%dma_start3A_294, %dma_start3A_307, %dma_start3A_308] : memref<8x128x32xf32, #tpu.memory_space<vmem>> -> memref<1x128x32xf32, #tpu.memory_space<vmem>>
      %dma_start3A_310 = tpu.memref_squeeze %dma_start3A_309 : memref<1x128x32xf32, #tpu.memory_space<vmem>> -> memref<128x32xf32, #tpu.memory_space<vmem>>
      tpu.enqueue_dma source(%dma_start3A_310 : memref<128x32xf32, #tpu.memory_space<vmem>>) target(%dma_start3A_306 : memref<128x32xf32, #tpu.memory_space<hbm>>) target_semaphore(%arg16 : memref<!tpu.dma_semaphore, #tpu.memory_space<semaphore_mem>>)
      %add3A_311 = arith.constant 8 : i32
      %add3A_312 = arith.addi %add3A_282, %add3A_311 : i32
      %lt3A_313 = arith.constant 200 : i32
      %lt3A_314 = arith.cmpi slt, %add3A_312, %lt3A_313 : i32
      %convert_element_type3A_315 = arith.extui %lt3A_314 : i1 to i32
      %cond3A_316 = arith.constant 0 : i32
      %cond3A_317 = arith.cmpi ne, %convert_element_type3A_315, %cond3A_316 : i32
      scf.if %cond3A_317 {
        %dma_wait3A_540 = arith.constant 1 : i32
        %dma_wait3A_541 = arith.constant 0 : i32
        %dma_wait3A_542 = arith.constant 0 : i32
        %dma_wait3A_543 = tpu.memref_slice %arg6[%dma_wait3A_540, %dma_wait3A_541, %dma_wait3A_542] : memref<8x128x32xf32, #tpu.memory_space<vmem>> -> memref<1x128x32xf32, #tpu.memory_space<vmem>>
        %dma_wait3A_544 = tpu.memref_squeeze %dma_wait3A_543 : memref<1x128x32xf32, #tpu.memory_space<vmem>> -> memref<128x32xf32, #tpu.memory_space<vmem>>
        %dma_wait3A_545 = arith.constant 0 : i32
        %dma_wait3A_546 = arith.constant 0 : i32
        %dma_wait3A_547 = tpu.memref_slice %arg4[%add3A, %add3A_282, %dma_wait3A_545, %dma_wait3A_546] : memref<32x200x128x32xf32, #tpu.memory_space<hbm>> -> memref<1x1x128x32xf32, #tpu.memory_space<hbm>>
        %dma_wait3A_548 = tpu.memref_squeeze %dma_wait3A_547 : memref<1x1x128x32xf32, #tpu.memory_space<hbm>> -> memref<128x32xf32, #tpu.memory_space<hbm>>
        %dma_wait3A_549 = arith.constant 0 : i32
        %dma_wait3A_550 = arith.constant 0 : i32
        %dma_wait3A_551 = tpu.memref_slice %arg4[%add3A, %add3A_282, %dma_wait3A_549, %dma_wait3A_550] : memref<32x200x128x32xf32, #tpu.memory_space<hbm>> -> memref<1x1x128x32xf32, #tpu.memory_space<hbm>>
        %dma_wait3A_552 = tpu.memref_squeeze %dma_wait3A_551 : memref<1x1x128x32xf32, #tpu.memory_space<hbm>> -> memref<128x32xf32, #tpu.memory_space<hbm>>
        %dma_wait3A_553 = arith.constant 0 : i32
        %dma_wait3A_554 = arith.constant 0 : i32
        %dma_wait3A_555 = tpu.memref_slice %arg6[%dma_wait3A_540, %dma_wait3A_553, %dma_wait3A_554] : memref<8x128x32xf32, #tpu.memory_space<vmem>> -> memref<1x128x32xf32, #tpu.memory_space<vmem>>
        %dma_wait3A_556 = tpu.memref_squeeze %dma_wait3A_555 : memref<1x128x32xf32, #tpu.memory_space<vmem>> -> memref<128x32xf32, #tpu.memory_space<vmem>>
        tpu.wait_dma2 semaphore(%arg16 : memref<!tpu.dma_semaphore, #tpu.memory_space<semaphore_mem>>) src(%dma_wait3A_556 : memref<128x32xf32, #tpu.memory_space<vmem>>) dst(%dma_wait3A_552 : memref<128x32xf32, #tpu.memory_space<hbm>>)
        %dma_start3A_557 = arith.constant 1 : i32
        %dma_start3A_558 = arith.constant 0 : i32
        %dma_start3A_559 = arith.constant 0 : i32
        %dma_start3A_560 = tpu.memref_slice %arg6[%dma_start3A_557, %dma_start3A_558, %dma_start3A_559] : memref<8x128x32xf32, #tpu.memory_space<vmem>> -> memref<1x128x32xf32, #tpu.memory_space<vmem>>
        %dma_start3A_561 = tpu.memref_squeeze %dma_start3A_560 : memref<1x128x32xf32, #tpu.memory_space<vmem>> -> memref<128x32xf32, #tpu.memory_space<vmem>>
        %dma_start3A_562 = arith.constant 0 : i32
        %dma_start3A_563 = tpu.memref_slice %arg5[%add3A_312, %dma_start3A_562] : memref<200x128xi32, #tpu.memory_space<vmem>> -> memref<1x128xi32, #tpu.memory_space<vmem>>
        %dma_start3A_564 = tpu.memref_squeeze %dma_start3A_563 : memref<1x128xi32, #tpu.memory_space<vmem>> -> memref<128xi32, #tpu.memory_space<vmem>>
        %dma_start3A_565 = arith.constant 0 : i32
        %dma_start3A_566 = arith.constant 0 : i32
        %dma_start3A_567 = tpu.memref_slice %arg3[%dma_start3A_565, %dma_start3A_566] : memref<1000000x32xf32, #tpu.memory_space<hbm>> -> memref<1000000x32xf32, #tpu.memory_space<hbm>>
        tpu.enqueue_indirect_dma source(%dma_start3A_567 : memref<1000000x32xf32, #tpu.memory_space<hbm>>) target(%dma_start3A_561 : memref<128x32xf32, #tpu.memory_space<vmem>>) offsets(%dma_start3A_564 : memref<128xi32, #tpu.memory_space<vmem>>) semaphore(%arg8 : memref<!tpu.dma_semaphore, #tpu.memory_space<semaphore_mem>>)
      } else {
      }
      %add3A_318 = arith.constant 2 : i32
      %add3A_319 = arith.addi %mul3A_246, %add3A_318 : i32
      %dma_wait3A_320 = arith.constant 2 : i32
      %dma_wait3A_321 = arith.constant 0 : i32
      %dma_wait3A_322 = arith.constant 0 : i32
      %dma_wait3A_323 = tpu.memref_slice %arg6[%dma_wait3A_320, %dma_wait3A_321, %dma_wait3A_322] : memref<8x128x32xf32, #tpu.memory_space<vmem>> -> memref<1x128x32xf32, #tpu.memory_space<vmem>>
      %dma_wait3A_324 = tpu.memref_squeeze %dma_wait3A_323 : memref<1x128x32xf32, #tpu.memory_space<vmem>> -> memref<128x32xf32, #tpu.memory_space<vmem>>
      %dma_wait3A_325 = arith.constant 0 : i32
      %dma_wait3A_326 = tpu.memref_slice %arg5[%add3A_319, %dma_wait3A_325] : memref<200x128xi32, #tpu.memory_space<vmem>> -> memref<1x128xi32, #tpu.memory_space<vmem>>
      %dma_wait3A_327 = tpu.memref_squeeze %dma_wait3A_326 : memref<1x128xi32, #tpu.memory_space<vmem>> -> memref<128xi32, #tpu.memory_space<vmem>>
      %dma_wait3A_328 = arith.constant 0 : i32
      %dma_wait3A_329 = arith.constant 0 : i32
      %dma_wait3A_330 = tpu.memref_slice %arg3[%dma_wait3A_328, %dma_wait3A_329] : memref<1000000x32xf32, #tpu.memory_space<hbm>> -> memref<1000000x32xf32, #tpu.memory_space<hbm>>
      tpu.wait_indirect_dma semaphore(%arg9 : memref<!tpu.dma_semaphore, #tpu.memory_space<semaphore_mem>>) src(%dma_wait3A_330 : memref<1000000x32xf32, #tpu.memory_space<hbm>>) dst(%dma_wait3A_324 : memref<128x32xf32, #tpu.memory_space<vmem>>)
      %dma_start3A_331 = arith.constant 2 : i32
      %dma_start3A_332 = arith.constant 0 : i32
      %dma_start3A_333 = arith.constant 0 : i32
      %dma_start3A_334 = tpu.memref_slice %arg6[%dma_start3A_331, %dma_start3A_332, %dma_start3A_333] : memref<8x128x32xf32, #tpu.memory_space<vmem>> -> memref<1x128x32xf32, #tpu.memory_space<vmem>>
      %dma_start3A_335 = tpu.memref_squeeze %dma_start3A_334 : memref<1x128x32xf32, #tpu.memory_space<vmem>> -> memref<128x32xf32, #tpu.memory_space<vmem>>
      %dma_start3A_336 = arith.constant 0 : i32
      %dma_start3A_337 = arith.constant 0 : i32
      %dma_start3A_338 = tpu.memref_slice %arg4[%add3A, %add3A_319, %dma_start3A_336, %dma_start3A_337] : memref<32x200x128x32xf32, #tpu.memory_space<hbm>> -> memref<1x1x128x32xf32, #tpu.memory_space<hbm>>
      %dma_start3A_339 = tpu.memref_squeeze %dma_start3A_338 : memref<1x1x128x32xf32, #tpu.memory_space<hbm>> -> memref<128x32xf32, #tpu.memory_space<hbm>>
      %dma_start3A_340 = arith.constant 0 : i32
      %dma_start3A_341 = arith.constant 0 : i32
      %dma_start3A_342 = tpu.memref_slice %arg4[%add3A, %add3A_319, %dma_start3A_340, %dma_start3A_341] : memref<32x200x128x32xf32, #tpu.memory_space<hbm>> -> memref<1x1x128x32xf32, #tpu.memory_space<hbm>>
      %dma_start3A_343 = tpu.memref_squeeze %dma_start3A_342 : memref<1x1x128x32xf32, #tpu.memory_space<hbm>> -> memref<128x32xf32, #tpu.memory_space<hbm>>
      %dma_start3A_344 = arith.constant 0 : i32
      %dma_start3A_345 = arith.constant 0 : i32
      %dma_start3A_346 = tpu.memref_slice %arg6[%dma_start3A_331, %dma_start3A_344, %dma_start3A_345] : memref<8x128x32xf32, #tpu.memory_space<vmem>> -> memref<1x128x32xf32, #tpu.memory_space<vmem>>
      %dma_start3A_347 = tpu.memref_squeeze %dma_start3A_346 : memref<1x128x32xf32, #tpu.memory_space<vmem>> -> memref<128x32xf32, #tpu.memory_space<vmem>>
      tpu.enqueue_dma source(%dma_start3A_347 : memref<128x32xf32, #tpu.memory_space<vmem>>) target(%dma_start3A_343 : memref<128x32xf32, #tpu.memory_space<hbm>>) target_semaphore(%arg17 : memref<!tpu.dma_semaphore, #tpu.memory_space<semaphore_mem>>)
      %add3A_348 = arith.constant 8 : i32
      %add3A_349 = arith.addi %add3A_319, %add3A_348 : i32
      %lt3A_350 = arith.constant 200 : i32
      %lt3A_351 = arith.cmpi slt, %add3A_349, %lt3A_350 : i32
      %convert_element_type3A_352 = arith.extui %lt3A_351 : i1 to i32
      %cond3A_353 = arith.constant 0 : i32
      %cond3A_354 = arith.cmpi ne, %convert_element_type3A_352, %cond3A_353 : i32
      scf.if %cond3A_354 {
        %dma_wait3A_540 = arith.constant 2 : i32
        %dma_wait3A_541 = arith.constant 0 : i32
        %dma_wait3A_542 = arith.constant 0 : i32
        %dma_wait3A_543 = tpu.memref_slice %arg6[%dma_wait3A_540, %dma_wait3A_541, %dma_wait3A_542] : memref<8x128x32xf32, #tpu.memory_space<vmem>> -> memref<1x128x32xf32, #tpu.memory_space<vmem>>
        %dma_wait3A_544 = tpu.memref_squeeze %dma_wait3A_543 : memref<1x128x32xf32, #tpu.memory_space<vmem>> -> memref<128x32xf32, #tpu.memory_space<vmem>>
        %dma_wait3A_545 = arith.constant 0 : i32
        %dma_wait3A_546 = arith.constant 0 : i32
        %dma_wait3A_547 = tpu.memref_slice %arg4[%add3A, %add3A_319, %dma_wait3A_545, %dma_wait3A_546] : memref<32x200x128x32xf32, #tpu.memory_space<hbm>> -> memref<1x1x128x32xf32, #tpu.memory_space<hbm>>
        %dma_wait3A_548 = tpu.memref_squeeze %dma_wait3A_547 : memref<1x1x128x32xf32, #tpu.memory_space<hbm>> -> memref<128x32xf32, #tpu.memory_space<hbm>>
        %dma_wait3A_549 = arith.constant 0 : i32
        %dma_wait3A_550 = arith.constant 0 : i32
        %dma_wait3A_551 = tpu.memref_slice %arg4[%add3A, %add3A_319, %dma_wait3A_549, %dma_wait3A_550] : memref<32x200x128x32xf32, #tpu.memory_space<hbm>> -> memref<1x1x128x32xf32, #tpu.memory_space<hbm>>
        %dma_wait3A_552 = tpu.memref_squeeze %dma_wait3A_551 : memref<1x1x128x32xf32, #tpu.memory_space<hbm>> -> memref<128x32xf32, #tpu.memory_space<hbm>>
        %dma_wait3A_553 = arith.constant 0 : i32
        %dma_wait3A_554 = arith.constant 0 : i32
        %dma_wait3A_555 = tpu.memref_slice %arg6[%dma_wait3A_540, %dma_wait3A_553, %dma_wait3A_554] : memref<8x128x32xf32, #tpu.memory_space<vmem>> -> memref<1x128x32xf32, #tpu.memory_space<vmem>>
        %dma_wait3A_556 = tpu.memref_squeeze %dma_wait3A_555 : memref<1x128x32xf32, #tpu.memory_space<vmem>> -> memref<128x32xf32, #tpu.memory_space<vmem>>
        tpu.wait_dma2 semaphore(%arg17 : memref<!tpu.dma_semaphore, #tpu.memory_space<semaphore_mem>>) src(%dma_wait3A_556 : memref<128x32xf32, #tpu.memory_space<vmem>>) dst(%dma_wait3A_552 : memref<128x32xf32, #tpu.memory_space<hbm>>)
        %dma_start3A_557 = arith.constant 2 : i32
        %dma_start3A_558 = arith.constant 0 : i32
        %dma_start3A_559 = arith.constant 0 : i32
        %dma_start3A_560 = tpu.memref_slice %arg6[%dma_start3A_557, %dma_start3A_558, %dma_start3A_559] : memref<8x128x32xf32, #tpu.memory_space<vmem>> -> memref<1x128x32xf32, #tpu.memory_space<vmem>>
        %dma_start3A_561 = tpu.memref_squeeze %dma_start3A_560 : memref<1x128x32xf32, #tpu.memory_space<vmem>> -> memref<128x32xf32, #tpu.memory_space<vmem>>
        %dma_start3A_562 = arith.constant 0 : i32
        %dma_start3A_563 = tpu.memref_slice %arg5[%add3A_349, %dma_start3A_562] : memref<200x128xi32, #tpu.memory_space<vmem>> -> memref<1x128xi32, #tpu.memory_space<vmem>>
        %dma_start3A_564 = tpu.memref_squeeze %dma_start3A_563 : memref<1x128xi32, #tpu.memory_space<vmem>> -> memref<128xi32, #tpu.memory_space<vmem>>
        %dma_start3A_565 = arith.constant 0 : i32
        %dma_start3A_566 = arith.constant 0 : i32
        %dma_start3A_567 = tpu.memref_slice %arg3[%dma_start3A_565, %dma_start3A_566] : memref<1000000x32xf32, #tpu.memory_space<hbm>> -> memref<1000000x32xf32, #tpu.memory_space<hbm>>
        tpu.enqueue_indirect_dma source(%dma_start3A_567 : memref<1000000x32xf32, #tpu.memory_space<hbm>>) target(%dma_start3A_561 : memref<128x32xf32, #tpu.memory_space<vmem>>) offsets(%dma_start3A_564 : memref<128xi32, #tpu.memory_space<vmem>>) semaphore(%arg9 : memref<!tpu.dma_semaphore, #tpu.memory_space<semaphore_mem>>)
      } else {
      }
      %add3A_355 = arith.constant 3 : i32
      %add3A_356 = arith.addi %mul3A_246, %add3A_355 : i32
      %dma_wait3A_357 = arith.constant 3 : i32
      %dma_wait3A_358 = arith.constant 0 : i32
      %dma_wait3A_359 = arith.constant 0 : i32
      %dma_wait3A_360 = tpu.memref_slice %arg6[%dma_wait3A_357, %dma_wait3A_358, %dma_wait3A_359] : memref<8x128x32xf32, #tpu.memory_space<vmem>> -> memref<1x128x32xf32, #tpu.memory_space<vmem>>
      %dma_wait3A_361 = tpu.memref_squeeze %dma_wait3A_360 : memref<1x128x32xf32, #tpu.memory_space<vmem>> -> memref<128x32xf32, #tpu.memory_space<vmem>>
      %dma_wait3A_362 = arith.constant 0 : i32
      %dma_wait3A_363 = tpu.memref_slice %arg5[%add3A_356, %dma_wait3A_362] : memref<200x128xi32, #tpu.memory_space<vmem>> -> memref<1x128xi32, #tpu.memory_space<vmem>>
      %dma_wait3A_364 = tpu.memref_squeeze %dma_wait3A_363 : memref<1x128xi32, #tpu.memory_space<vmem>> -> memref<128xi32, #tpu.memory_space<vmem>>
      %dma_wait3A_365 = arith.constant 0 : i32
      %dma_wait3A_366 = arith.constant 0 : i32
      %dma_wait3A_367 = tpu.memref_slice %arg3[%dma_wait3A_365, %dma_wait3A_366] : memref<1000000x32xf32, #tpu.memory_space<hbm>> -> memref<1000000x32xf32, #tpu.memory_space<hbm>>
      tpu.wait_indirect_dma semaphore(%arg10 : memref<!tpu.dma_semaphore, #tpu.memory_space<semaphore_mem>>) src(%dma_wait3A_367 : memref<1000000x32xf32, #tpu.memory_space<hbm>>) dst(%dma_wait3A_361 : memref<128x32xf32, #tpu.memory_space<vmem>>)
      %dma_start3A_368 = arith.constant 3 : i32
      %dma_start3A_369 = arith.constant 0 : i32
      %dma_start3A_370 = arith.constant 0 : i32
      %dma_start3A_371 = tpu.memref_slice %arg6[%dma_start3A_368, %dma_start3A_369, %dma_start3A_370] : memref<8x128x32xf32, #tpu.memory_space<vmem>> -> memref<1x128x32xf32, #tpu.memory_space<vmem>>
      %dma_start3A_372 = tpu.memref_squeeze %dma_start3A_371 : memref<1x128x32xf32, #tpu.memory_space<vmem>> -> memref<128x32xf32, #tpu.memory_space<vmem>>
      %dma_start3A_373 = arith.constant 0 : i32
      %dma_start3A_374 = arith.constant 0 : i32
      %dma_start3A_375 = tpu.memref_slice %arg4[%add3A, %add3A_356, %dma_start3A_373, %dma_start3A_374] : memref<32x200x128x32xf32, #tpu.memory_space<hbm>> -> memref<1x1x128x32xf32, #tpu.memory_space<hbm>>
      %dma_start3A_376 = tpu.memref_squeeze %dma_start3A_375 : memref<1x1x128x32xf32, #tpu.memory_space<hbm>> -> memref<128x32xf32, #tpu.memory_space<hbm>>
      %dma_start3A_377 = arith.constant 0 : i32
      %dma_start3A_378 = arith.constant 0 : i32
      %dma_start3A_379 = tpu.memref_slice %arg4[%add3A, %add3A_356, %dma_start3A_377, %dma_start3A_378] : memref<32x200x128x32xf32, #tpu.memory_space<hbm>> -> memref<1x1x128x32xf32, #tpu.memory_space<hbm>>
      %dma_start3A_380 = tpu.memref_squeeze %dma_start3A_379 : memref<1x1x128x32xf32, #tpu.memory_space<hbm>> -> memref<128x32xf32, #tpu.memory_space<hbm>>
      %dma_start3A_381 = arith.constant 0 : i32
      %dma_start3A_382 = arith.constant 0 : i32
      %dma_start3A_383 = tpu.memref_slice %arg6[%dma_start3A_368, %dma_start3A_381, %dma_start3A_382] : memref<8x128x32xf32, #tpu.memory_space<vmem>> -> memref<1x128x32xf32, #tpu.memory_space<vmem>>
      %dma_start3A_384 = tpu.memref_squeeze %dma_start3A_383 : memref<1x128x32xf32, #tpu.memory_space<vmem>> -> memref<128x32xf32, #tpu.memory_space<vmem>>
      tpu.enqueue_dma source(%dma_start3A_384 : memref<128x32xf32, #tpu.memory_space<vmem>>) target(%dma_start3A_380 : memref<128x32xf32, #tpu.memory_space<hbm>>) target_semaphore(%arg18 : memref<!tpu.dma_semaphore, #tpu.memory_space<semaphore_mem>>)
      %add3A_385 = arith.constant 8 : i32
      %add3A_386 = arith.addi %add3A_356, %add3A_385 : i32
      %lt3A_387 = arith.constant 200 : i32
      %lt3A_388 = arith.cmpi slt, %add3A_386, %lt3A_387 : i32
      %convert_element_type3A_389 = arith.extui %lt3A_388 : i1 to i32
      %cond3A_390 = arith.constant 0 : i32
      %cond3A_391 = arith.cmpi ne, %convert_element_type3A_389, %cond3A_390 : i32
      scf.if %cond3A_391 {
        %dma_wait3A_540 = arith.constant 3 : i32
        %dma_wait3A_541 = arith.constant 0 : i32
        %dma_wait3A_542 = arith.constant 0 : i32
        %dma_wait3A_543 = tpu.memref_slice %arg6[%dma_wait3A_540, %dma_wait3A_541, %dma_wait3A_542] : memref<8x128x32xf32, #tpu.memory_space<vmem>> -> memref<1x128x32xf32, #tpu.memory_space<vmem>>
        %dma_wait3A_544 = tpu.memref_squeeze %dma_wait3A_543 : memref<1x128x32xf32, #tpu.memory_space<vmem>> -> memref<128x32xf32, #tpu.memory_space<vmem>>
        %dma_wait3A_545 = arith.constant 0 : i32
        %dma_wait3A_546 = arith.constant 0 : i32
        %dma_wait3A_547 = tpu.memref_slice %arg4[%add3A, %add3A_356, %dma_wait3A_545, %dma_wait3A_546] : memref<32x200x128x32xf32, #tpu.memory_space<hbm>> -> memref<1x1x128x32xf32, #tpu.memory_space<hbm>>
        %dma_wait3A_548 = tpu.memref_squeeze %dma_wait3A_547 : memref<1x1x128x32xf32, #tpu.memory_space<hbm>> -> memref<128x32xf32, #tpu.memory_space<hbm>>
        %dma_wait3A_549 = arith.constant 0 : i32
        %dma_wait3A_550 = arith.constant 0 : i32
        %dma_wait3A_551 = tpu.memref_slice %arg4[%add3A, %add3A_356, %dma_wait3A_549, %dma_wait3A_550] : memref<32x200x128x32xf32, #tpu.memory_space<hbm>> -> memref<1x1x128x32xf32, #tpu.memory_space<hbm>>
        %dma_wait3A_552 = tpu.memref_squeeze %dma_wait3A_551 : memref<1x1x128x32xf32, #tpu.memory_space<hbm>> -> memref<128x32xf32, #tpu.memory_space<hbm>>
        %dma_wait3A_553 = arith.constant 0 : i32
        %dma_wait3A_554 = arith.constant 0 : i32
        %dma_wait3A_555 = tpu.memref_slice %arg6[%dma_wait3A_540, %dma_wait3A_553, %dma_wait3A_554] : memref<8x128x32xf32, #tpu.memory_space<vmem>> -> memref<1x128x32xf32, #tpu.memory_space<vmem>>
        %dma_wait3A_556 = tpu.memref_squeeze %dma_wait3A_555 : memref<1x128x32xf32, #tpu.memory_space<vmem>> -> memref<128x32xf32, #tpu.memory_space<vmem>>
        tpu.wait_dma2 semaphore(%arg18 : memref<!tpu.dma_semaphore, #tpu.memory_space<semaphore_mem>>) src(%dma_wait3A_556 : memref<128x32xf32, #tpu.memory_space<vmem>>) dst(%dma_wait3A_552 : memref<128x32xf32, #tpu.memory_space<hbm>>)
        %dma_start3A_557 = arith.constant 3 : i32
        %dma_start3A_558 = arith.constant 0 : i32
        %dma_start3A_559 = arith.constant 0 : i32
        %dma_start3A_560 = tpu.memref_slice %arg6[%dma_start3A_557, %dma_start3A_558, %dma_start3A_559] : memref<8x128x32xf32, #tpu.memory_space<vmem>> -> memref<1x128x32xf32, #tpu.memory_space<vmem>>
        %dma_start3A_561 = tpu.memref_squeeze %dma_start3A_560 : memref<1x128x32xf32, #tpu.memory_space<vmem>> -> memref<128x32xf32, #tpu.memory_space<vmem>>
        %dma_start3A_562 = arith.constant 0 : i32
        %dma_start3A_563 = tpu.memref_slice %arg5[%add3A_386, %dma_start3A_562] : memref<200x128xi32, #tpu.memory_space<vmem>> -> memref<1x128xi32, #tpu.memory_space<vmem>>
        %dma_start3A_564 = tpu.memref_squeeze %dma_start3A_563 : memref<1x128xi32, #tpu.memory_space<vmem>> -> memref<128xi32, #tpu.memory_space<vmem>>
        %dma_start3A_565 = arith.constant 0 : i32
        %dma_start3A_566 = arith.constant 0 : i32
        %dma_start3A_567 = tpu.memref_slice %arg3[%dma_start3A_565, %dma_start3A_566] : memref<1000000x32xf32, #tpu.memory_space<hbm>> -> memref<1000000x32xf32, #tpu.memory_space<hbm>>
        tpu.enqueue_indirect_dma source(%dma_start3A_567 : memref<1000000x32xf32, #tpu.memory_space<hbm>>) target(%dma_start3A_561 : memref<128x32xf32, #tpu.memory_space<vmem>>) offsets(%dma_start3A_564 : memref<128xi32, #tpu.memory_space<vmem>>) semaphore(%arg10 : memref<!tpu.dma_semaphore, #tpu.memory_space<semaphore_mem>>)
      } else {
      }
      %add3A_392 = arith.constant 4 : i32
      %add3A_393 = arith.addi %mul3A_246, %add3A_392 : i32
      %dma_wait3A_394 = arith.constant 4 : i32
      %dma_wait3A_395 = arith.constant 0 : i32
      %dma_wait3A_396 = arith.constant 0 : i32
      %dma_wait3A_397 = tpu.memref_slice %arg6[%dma_wait3A_394, %dma_wait3A_395, %dma_wait3A_396] : memref<8x128x32xf32, #tpu.memory_space<vmem>> -> memref<1x128x32xf32, #tpu.memory_space<vmem>>
      %dma_wait3A_398 = tpu.memref_squeeze %dma_wait3A_397 : memref<1x128x32xf32, #tpu.memory_space<vmem>> -> memref<128x32xf32, #tpu.memory_space<vmem>>
      %dma_wait3A_399 = arith.constant 0 : i32
      %dma_wait3A_400 = tpu.memref_slice %arg5[%add3A_393, %dma_wait3A_399] : memref<200x128xi32, #tpu.memory_space<vmem>> -> memref<1x128xi32, #tpu.memory_space<vmem>>
      %dma_wait3A_401 = tpu.memref_squeeze %dma_wait3A_400 : memref<1x128xi32, #tpu.memory_space<vmem>> -> memref<128xi32, #tpu.memory_space<vmem>>
      %dma_wait3A_402 = arith.constant 0 : i32
      %dma_wait3A_403 = arith.constant 0 : i32
      %dma_wait3A_404 = tpu.memref_slice %arg3[%dma_wait3A_402, %dma_wait3A_403] : memref<1000000x32xf32, #tpu.memory_space<hbm>> -> memref<1000000x32xf32, #tpu.memory_space<hbm>>
      tpu.wait_indirect_dma semaphore(%arg11 : memref<!tpu.dma_semaphore, #tpu.memory_space<semaphore_mem>>) src(%dma_wait3A_404 : memref<1000000x32xf32, #tpu.memory_space<hbm>>) dst(%dma_wait3A_398 : memref<128x32xf32, #tpu.memory_space<vmem>>)
      %dma_start3A_405 = arith.constant 4 : i32
      %dma_start3A_406 = arith.constant 0 : i32
      %dma_start3A_407 = arith.constant 0 : i32
      %dma_start3A_408 = tpu.memref_slice %arg6[%dma_start3A_405, %dma_start3A_406, %dma_start3A_407] : memref<8x128x32xf32, #tpu.memory_space<vmem>> -> memref<1x128x32xf32, #tpu.memory_space<vmem>>
      %dma_start3A_409 = tpu.memref_squeeze %dma_start3A_408 : memref<1x128x32xf32, #tpu.memory_space<vmem>> -> memref<128x32xf32, #tpu.memory_space<vmem>>
      %dma_start3A_410 = arith.constant 0 : i32
      %dma_start3A_411 = arith.constant 0 : i32
      %dma_start3A_412 = tpu.memref_slice %arg4[%add3A, %add3A_393, %dma_start3A_410, %dma_start3A_411] : memref<32x200x128x32xf32, #tpu.memory_space<hbm>> -> memref<1x1x128x32xf32, #tpu.memory_space<hbm>>
      %dma_start3A_413 = tpu.memref_squeeze %dma_start3A_412 : memref<1x1x128x32xf32, #tpu.memory_space<hbm>> -> memref<128x32xf32, #tpu.memory_space<hbm>>
      %dma_start3A_414 = arith.constant 0 : i32
      %dma_start3A_415 = arith.constant 0 : i32
      %dma_start3A_416 = tpu.memref_slice %arg4[%add3A, %add3A_393, %dma_start3A_414, %dma_start3A_415] : memref<32x200x128x32xf32, #tpu.memory_space<hbm>> -> memref<1x1x128x32xf32, #tpu.memory_space<hbm>>
      %dma_start3A_417 = tpu.memref_squeeze %dma_start3A_416 : memref<1x1x128x32xf32, #tpu.memory_space<hbm>> -> memref<128x32xf32, #tpu.memory_space<hbm>>
      %dma_start3A_418 = arith.constant 0 : i32
      %dma_start3A_419 = arith.constant 0 : i32
      %dma_start3A_420 = tpu.memref_slice %arg6[%dma_start3A_405, %dma_start3A_418, %dma_start3A_419] : memref<8x128x32xf32, #tpu.memory_space<vmem>> -> memref<1x128x32xf32, #tpu.memory_space<vmem>>
      %dma_start3A_421 = tpu.memref_squeeze %dma_start3A_420 : memref<1x128x32xf32, #tpu.memory_space<vmem>> -> memref<128x32xf32, #tpu.memory_space<vmem>>
      tpu.enqueue_dma source(%dma_start3A_421 : memref<128x32xf32, #tpu.memory_space<vmem>>) target(%dma_start3A_417 : memref<128x32xf32, #tpu.memory_space<hbm>>) target_semaphore(%arg19 : memref<!tpu.dma_semaphore, #tpu.memory_space<semaphore_mem>>)
      %add3A_422 = arith.constant 8 : i32
      %add3A_423 = arith.addi %add3A_393, %add3A_422 : i32
      %lt3A_424 = arith.constant 200 : i32
      %lt3A_425 = arith.cmpi slt, %add3A_423, %lt3A_424 : i32
      %convert_element_type3A_426 = arith.extui %lt3A_425 : i1 to i32
      %cond3A_427 = arith.constant 0 : i32
      %cond3A_428 = arith.cmpi ne, %convert_element_type3A_426, %cond3A_427 : i32
      scf.if %cond3A_428 {
        %dma_wait3A_540 = arith.constant 4 : i32
        %dma_wait3A_541 = arith.constant 0 : i32
        %dma_wait3A_542 = arith.constant 0 : i32
        %dma_wait3A_543 = tpu.memref_slice %arg6[%dma_wait3A_540, %dma_wait3A_541, %dma_wait3A_542] : memref<8x128x32xf32, #tpu.memory_space<vmem>> -> memref<1x128x32xf32, #tpu.memory_space<vmem>>
        %dma_wait3A_544 = tpu.memref_squeeze %dma_wait3A_543 : memref<1x128x32xf32, #tpu.memory_space<vmem>> -> memref<128x32xf32, #tpu.memory_space<vmem>>
        %dma_wait3A_545 = arith.constant 0 : i32
        %dma_wait3A_546 = arith.constant 0 : i32
        %dma_wait3A_547 = tpu.memref_slice %arg4[%add3A, %add3A_393, %dma_wait3A_545, %dma_wait3A_546] : memref<32x200x128x32xf32, #tpu.memory_space<hbm>> -> memref<1x1x128x32xf32, #tpu.memory_space<hbm>>
        %dma_wait3A_548 = tpu.memref_squeeze %dma_wait3A_547 : memref<1x1x128x32xf32, #tpu.memory_space<hbm>> -> memref<128x32xf32, #tpu.memory_space<hbm>>
        %dma_wait3A_549 = arith.constant 0 : i32
        %dma_wait3A_550 = arith.constant 0 : i32
        %dma_wait3A_551 = tpu.memref_slice %arg4[%add3A, %add3A_393, %dma_wait3A_549, %dma_wait3A_550] : memref<32x200x128x32xf32, #tpu.memory_space<hbm>> -> memref<1x1x128x32xf32, #tpu.memory_space<hbm>>
        %dma_wait3A_552 = tpu.memref_squeeze %dma_wait3A_551 : memref<1x1x128x32xf32, #tpu.memory_space<hbm>> -> memref<128x32xf32, #tpu.memory_space<hbm>>
        %dma_wait3A_553 = arith.constant 0 : i32
        %dma_wait3A_554 = arith.constant 0 : i32
        %dma_wait3A_555 = tpu.memref_slice %arg6[%dma_wait3A_540, %dma_wait3A_553, %dma_wait3A_554] : memref<8x128x32xf32, #tpu.memory_space<vmem>> -> memref<1x128x32xf32, #tpu.memory_space<vmem>>
        %dma_wait3A_556 = tpu.memref_squeeze %dma_wait3A_555 : memref<1x128x32xf32, #tpu.memory_space<vmem>> -> memref<128x32xf32, #tpu.memory_space<vmem>>
        tpu.wait_dma2 semaphore(%arg19 : memref<!tpu.dma_semaphore, #tpu.memory_space<semaphore_mem>>) src(%dma_wait3A_556 : memref<128x32xf32, #tpu.memory_space<vmem>>) dst(%dma_wait3A_552 : memref<128x32xf32, #tpu.memory_space<hbm>>)
        %dma_start3A_557 = arith.constant 4 : i32
        %dma_start3A_558 = arith.constant 0 : i32
        %dma_start3A_559 = arith.constant 0 : i32
        %dma_start3A_560 = tpu.memref_slice %arg6[%dma_start3A_557, %dma_start3A_558, %dma_start3A_559] : memref<8x128x32xf32, #tpu.memory_space<vmem>> -> memref<1x128x32xf32, #tpu.memory_space<vmem>>
        %dma_start3A_561 = tpu.memref_squeeze %dma_start3A_560 : memref<1x128x32xf32, #tpu.memory_space<vmem>> -> memref<128x32xf32, #tpu.memory_space<vmem>>
        %dma_start3A_562 = arith.constant 0 : i32
        %dma_start3A_563 = tpu.memref_slice %arg5[%add3A_423, %dma_start3A_562] : memref<200x128xi32, #tpu.memory_space<vmem>> -> memref<1x128xi32, #tpu.memory_space<vmem>>
        %dma_start3A_564 = tpu.memref_squeeze %dma_start3A_563 : memref<1x128xi32, #tpu.memory_space<vmem>> -> memref<128xi32, #tpu.memory_space<vmem>>
        %dma_start3A_565 = arith.constant 0 : i32
        %dma_start3A_566 = arith.constant 0 : i32
        %dma_start3A_567 = tpu.memref_slice %arg3[%dma_start3A_565, %dma_start3A_566] : memref<1000000x32xf32, #tpu.memory_space<hbm>> -> memref<1000000x32xf32, #tpu.memory_space<hbm>>
        tpu.enqueue_indirect_dma source(%dma_start3A_567 : memref<1000000x32xf32, #tpu.memory_space<hbm>>) target(%dma_start3A_561 : memref<128x32xf32, #tpu.memory_space<vmem>>) offsets(%dma_start3A_564 : memref<128xi32, #tpu.memory_space<vmem>>) semaphore(%arg11 : memref<!tpu.dma_semaphore, #tpu.memory_space<semaphore_mem>>)
      } else {
      }
      %add3A_429 = arith.constant 5 : i32
      %add3A_430 = arith.addi %mul3A_246, %add3A_429 : i32
      %dma_wait3A_431 = arith.constant 5 : i32
      %dma_wait3A_432 = arith.constant 0 : i32
      %dma_wait3A_433 = arith.constant 0 : i32
      %dma_wait3A_434 = tpu.memref_slice %arg6[%dma_wait3A_431, %dma_wait3A_432, %dma_wait3A_433] : memref<8x128x32xf32, #tpu.memory_space<vmem>> -> memref<1x128x32xf32, #tpu.memory_space<vmem>>
      %dma_wait3A_435 = tpu.memref_squeeze %dma_wait3A_434 : memref<1x128x32xf32, #tpu.memory_space<vmem>> -> memref<128x32xf32, #tpu.memory_space<vmem>>
      %dma_wait3A_436 = arith.constant 0 : i32
      %dma_wait3A_437 = tpu.memref_slice %arg5[%add3A_430, %dma_wait3A_436] : memref<200x128xi32, #tpu.memory_space<vmem>> -> memref<1x128xi32, #tpu.memory_space<vmem>>
      %dma_wait3A_438 = tpu.memref_squeeze %dma_wait3A_437 : memref<1x128xi32, #tpu.memory_space<vmem>> -> memref<128xi32, #tpu.memory_space<vmem>>
      %dma_wait3A_439 = arith.constant 0 : i32
      %dma_wait3A_440 = arith.constant 0 : i32
      %dma_wait3A_441 = tpu.memref_slice %arg3[%dma_wait3A_439, %dma_wait3A_440] : memref<1000000x32xf32, #tpu.memory_space<hbm>> -> memref<1000000x32xf32, #tpu.memory_space<hbm>>
      tpu.wait_indirect_dma semaphore(%arg12 : memref<!tpu.dma_semaphore, #tpu.memory_space<semaphore_mem>>) src(%dma_wait3A_441 : memref<1000000x32xf32, #tpu.memory_space<hbm>>) dst(%dma_wait3A_435 : memref<128x32xf32, #tpu.memory_space<vmem>>)
      %dma_start3A_442 = arith.constant 5 : i32
      %dma_start3A_443 = arith.constant 0 : i32
      %dma_start3A_444 = arith.constant 0 : i32
      %dma_start3A_445 = tpu.memref_slice %arg6[%dma_start3A_442, %dma_start3A_443, %dma_start3A_444] : memref<8x128x32xf32, #tpu.memory_space<vmem>> -> memref<1x128x32xf32, #tpu.memory_space<vmem>>
      %dma_start3A_446 = tpu.memref_squeeze %dma_start3A_445 : memref<1x128x32xf32, #tpu.memory_space<vmem>> -> memref<128x32xf32, #tpu.memory_space<vmem>>
      %dma_start3A_447 = arith.constant 0 : i32
      %dma_start3A_448 = arith.constant 0 : i32
      %dma_start3A_449 = tpu.memref_slice %arg4[%add3A, %add3A_430, %dma_start3A_447, %dma_start3A_448] : memref<32x200x128x32xf32, #tpu.memory_space<hbm>> -> memref<1x1x128x32xf32, #tpu.memory_space<hbm>>
      %dma_start3A_450 = tpu.memref_squeeze %dma_start3A_449 : memref<1x1x128x32xf32, #tpu.memory_space<hbm>> -> memref<128x32xf32, #tpu.memory_space<hbm>>
      %dma_start3A_451 = arith.constant 0 : i32
      %dma_start3A_452 = arith.constant 0 : i32
      %dma_start3A_453 = tpu.memref_slice %arg4[%add3A, %add3A_430, %dma_start3A_451, %dma_start3A_452] : memref<32x200x128x32xf32, #tpu.memory_space<hbm>> -> memref<1x1x128x32xf32, #tpu.memory_space<hbm>>
      %dma_start3A_454 = tpu.memref_squeeze %dma_start3A_453 : memref<1x1x128x32xf32, #tpu.memory_space<hbm>> -> memref<128x32xf32, #tpu.memory_space<hbm>>
      %dma_start3A_455 = arith.constant 0 : i32
      %dma_start3A_456 = arith.constant 0 : i32
      %dma_start3A_457 = tpu.memref_slice %arg6[%dma_start3A_442, %dma_start3A_455, %dma_start3A_456] : memref<8x128x32xf32, #tpu.memory_space<vmem>> -> memref<1x128x32xf32, #tpu.memory_space<vmem>>
      %dma_start3A_458 = tpu.memref_squeeze %dma_start3A_457 : memref<1x128x32xf32, #tpu.memory_space<vmem>> -> memref<128x32xf32, #tpu.memory_space<vmem>>
      tpu.enqueue_dma source(%dma_start3A_458 : memref<128x32xf32, #tpu.memory_space<vmem>>) target(%dma_start3A_454 : memref<128x32xf32, #tpu.memory_space<hbm>>) target_semaphore(%arg20 : memref<!tpu.dma_semaphore, #tpu.memory_space<semaphore_mem>>)
      %add3A_459 = arith.constant 8 : i32
      %add3A_460 = arith.addi %add3A_430, %add3A_459 : i32
      %lt3A_461 = arith.constant 200 : i32
      %lt3A_462 = arith.cmpi slt, %add3A_460, %lt3A_461 : i32
      %convert_element_type3A_463 = arith.extui %lt3A_462 : i1 to i32
      %cond3A_464 = arith.constant 0 : i32
      %cond3A_465 = arith.cmpi ne, %convert_element_type3A_463, %cond3A_464 : i32
      scf.if %cond3A_465 {
        %dma_wait3A_540 = arith.constant 5 : i32
        %dma_wait3A_541 = arith.constant 0 : i32
        %dma_wait3A_542 = arith.constant 0 : i32
        %dma_wait3A_543 = tpu.memref_slice %arg6[%dma_wait3A_540, %dma_wait3A_541, %dma_wait3A_542] : memref<8x128x32xf32, #tpu.memory_space<vmem>> -> memref<1x128x32xf32, #tpu.memory_space<vmem>>
        %dma_wait3A_544 = tpu.memref_squeeze %dma_wait3A_543 : memref<1x128x32xf32, #tpu.memory_space<vmem>> -> memref<128x32xf32, #tpu.memory_space<vmem>>
        %dma_wait3A_545 = arith.constant 0 : i32
        %dma_wait3A_546 = arith.constant 0 : i32
        %dma_wait3A_547 = tpu.memref_slice %arg4[%add3A, %add3A_430, %dma_wait3A_545, %dma_wait3A_546] : memref<32x200x128x32xf32, #tpu.memory_space<hbm>> -> memref<1x1x128x32xf32, #tpu.memory_space<hbm>>
        %dma_wait3A_548 = tpu.memref_squeeze %dma_wait3A_547 : memref<1x1x128x32xf32, #tpu.memory_space<hbm>> -> memref<128x32xf32, #tpu.memory_space<hbm>>
        %dma_wait3A_549 = arith.constant 0 : i32
        %dma_wait3A_550 = arith.constant 0 : i32
        %dma_wait3A_551 = tpu.memref_slice %arg4[%add3A, %add3A_430, %dma_wait3A_549, %dma_wait3A_550] : memref<32x200x128x32xf32, #tpu.memory_space<hbm>> -> memref<1x1x128x32xf32, #tpu.memory_space<hbm>>
        %dma_wait3A_552 = tpu.memref_squeeze %dma_wait3A_551 : memref<1x1x128x32xf32, #tpu.memory_space<hbm>> -> memref<128x32xf32, #tpu.memory_space<hbm>>
        %dma_wait3A_553 = arith.constant 0 : i32
        %dma_wait3A_554 = arith.constant 0 : i32
        %dma_wait3A_555 = tpu.memref_slice %arg6[%dma_wait3A_540, %dma_wait3A_553, %dma_wait3A_554] : memref<8x128x32xf32, #tpu.memory_space<vmem>> -> memref<1x128x32xf32, #tpu.memory_space<vmem>>
        %dma_wait3A_556 = tpu.memref_squeeze %dma_wait3A_555 : memref<1x128x32xf32, #tpu.memory_space<vmem>> -> memref<128x32xf32, #tpu.memory_space<vmem>>
        tpu.wait_dma2 semaphore(%arg20 : memref<!tpu.dma_semaphore, #tpu.memory_space<semaphore_mem>>) src(%dma_wait3A_556 : memref<128x32xf32, #tpu.memory_space<vmem>>) dst(%dma_wait3A_552 : memref<128x32xf32, #tpu.memory_space<hbm>>)
        %dma_start3A_557 = arith.constant 5 : i32
        %dma_start3A_558 = arith.constant 0 : i32
        %dma_start3A_559 = arith.constant 0 : i32
        %dma_start3A_560 = tpu.memref_slice %arg6[%dma_start3A_557, %dma_start3A_558, %dma_start3A_559] : memref<8x128x32xf32, #tpu.memory_space<vmem>> -> memref<1x128x32xf32, #tpu.memory_space<vmem>>
        %dma_start3A_561 = tpu.memref_squeeze %dma_start3A_560 : memref<1x128x32xf32, #tpu.memory_space<vmem>> -> memref<128x32xf32, #tpu.memory_space<vmem>>
        %dma_start3A_562 = arith.constant 0 : i32
        %dma_start3A_563 = tpu.memref_slice %arg5[%add3A_460, %dma_start3A_562] : memref<200x128xi32, #tpu.memory_space<vmem>> -> memref<1x128xi32, #tpu.memory_space<vmem>>
        %dma_start3A_564 = tpu.memref_squeeze %dma_start3A_563 : memref<1x128xi32, #tpu.memory_space<vmem>> -> memref<128xi32, #tpu.memory_space<vmem>>
        %dma_start3A_565 = arith.constant 0 : i32
        %dma_start3A_566 = arith.constant 0 : i32
        %dma_start3A_567 = tpu.memref_slice %arg3[%dma_start3A_565, %dma_start3A_566] : memref<1000000x32xf32, #tpu.memory_space<hbm>> -> memref<1000000x32xf32, #tpu.memory_space<hbm>>
        tpu.enqueue_indirect_dma source(%dma_start3A_567 : memref<1000000x32xf32, #tpu.memory_space<hbm>>) target(%dma_start3A_561 : memref<128x32xf32, #tpu.memory_space<vmem>>) offsets(%dma_start3A_564 : memref<128xi32, #tpu.memory_space<vmem>>) semaphore(%arg12 : memref<!tpu.dma_semaphore, #tpu.memory_space<semaphore_mem>>)
      } else {
      }
      %add3A_466 = arith.constant 6 : i32
      %add3A_467 = arith.addi %mul3A_246, %add3A_466 : i32
      %dma_wait3A_468 = arith.constant 6 : i32
      %dma_wait3A_469 = arith.constant 0 : i32
      %dma_wait3A_470 = arith.constant 0 : i32
      %dma_wait3A_471 = tpu.memref_slice %arg6[%dma_wait3A_468, %dma_wait3A_469, %dma_wait3A_470] : memref<8x128x32xf32, #tpu.memory_space<vmem>> -> memref<1x128x32xf32, #tpu.memory_space<vmem>>
      %dma_wait3A_472 = tpu.memref_squeeze %dma_wait3A_471 : memref<1x128x32xf32, #tpu.memory_space<vmem>> -> memref<128x32xf32, #tpu.memory_space<vmem>>
      %dma_wait3A_473 = arith.constant 0 : i32
      %dma_wait3A_474 = tpu.memref_slice %arg5[%add3A_467, %dma_wait3A_473] : memref<200x128xi32, #tpu.memory_space<vmem>> -> memref<1x128xi32, #tpu.memory_space<vmem>>
      %dma_wait3A_475 = tpu.memref_squeeze %dma_wait3A_474 : memref<1x128xi32, #tpu.memory_space<vmem>> -> memref<128xi32, #tpu.memory_space<vmem>>
      %dma_wait3A_476 = arith.constant 0 : i32
      %dma_wait3A_477 = arith.constant 0 : i32
      %dma_wait3A_478 = tpu.memref_slice %arg3[%dma_wait3A_476, %dma_wait3A_477] : memref<1000000x32xf32, #tpu.memory_space<hbm>> -> memref<1000000x32xf32, #tpu.memory_space<hbm>>
      tpu.wait_indirect_dma semaphore(%arg13 : memref<!tpu.dma_semaphore, #tpu.memory_space<semaphore_mem>>) src(%dma_wait3A_478 : memref<1000000x32xf32, #tpu.memory_space<hbm>>) dst(%dma_wait3A_472 : memref<128x32xf32, #tpu.memory_space<vmem>>)
      %dma_start3A_479 = arith.constant 6 : i32
      %dma_start3A_480 = arith.constant 0 : i32
      %dma_start3A_481 = arith.constant 0 : i32
      %dma_start3A_482 = tpu.memref_slice %arg6[%dma_start3A_479, %dma_start3A_480, %dma_start3A_481] : memref<8x128x32xf32, #tpu.memory_space<vmem>> -> memref<1x128x32xf32, #tpu.memory_space<vmem>>
      %dma_start3A_483 = tpu.memref_squeeze %dma_start3A_482 : memref<1x128x32xf32, #tpu.memory_space<vmem>> -> memref<128x32xf32, #tpu.memory_space<vmem>>
      %dma_start3A_484 = arith.constant 0 : i32
      %dma_start3A_485 = arith.constant 0 : i32
      %dma_start3A_486 = tpu.memref_slice %arg4[%add3A, %add3A_467, %dma_start3A_484, %dma_start3A_485] : memref<32x200x128x32xf32, #tpu.memory_space<hbm>> -> memref<1x1x128x32xf32, #tpu.memory_space<hbm>>
      %dma_start3A_487 = tpu.memref_squeeze %dma_start3A_486 : memref<1x1x128x32xf32, #tpu.memory_space<hbm>> -> memref<128x32xf32, #tpu.memory_space<hbm>>
      %dma_start3A_488 = arith.constant 0 : i32
      %dma_start3A_489 = arith.constant 0 : i32
      %dma_start3A_490 = tpu.memref_slice %arg4[%add3A, %add3A_467, %dma_start3A_488, %dma_start3A_489] : memref<32x200x128x32xf32, #tpu.memory_space<hbm>> -> memref<1x1x128x32xf32, #tpu.memory_space<hbm>>
      %dma_start3A_491 = tpu.memref_squeeze %dma_start3A_490 : memref<1x1x128x32xf32, #tpu.memory_space<hbm>> -> memref<128x32xf32, #tpu.memory_space<hbm>>
      %dma_start3A_492 = arith.constant 0 : i32
      %dma_start3A_493 = arith.constant 0 : i32
      %dma_start3A_494 = tpu.memref_slice %arg6[%dma_start3A_479, %dma_start3A_492, %dma_start3A_493] : memref<8x128x32xf32, #tpu.memory_space<vmem>> -> memref<1x128x32xf32, #tpu.memory_space<vmem>>
      %dma_start3A_495 = tpu.memref_squeeze %dma_start3A_494 : memref<1x128x32xf32, #tpu.memory_space<vmem>> -> memref<128x32xf32, #tpu.memory_space<vmem>>
      tpu.enqueue_dma source(%dma_start3A_495 : memref<128x32xf32, #tpu.memory_space<vmem>>) target(%dma_start3A_491 : memref<128x32xf32, #tpu.memory_space<hbm>>) target_semaphore(%arg21 : memref<!tpu.dma_semaphore, #tpu.memory_space<semaphore_mem>>)
      %add3A_496 = arith.constant 8 : i32
      %add3A_497 = arith.addi %add3A_467, %add3A_496 : i32
      %lt3A_498 = arith.constant 200 : i32
      %lt3A_499 = arith.cmpi slt, %add3A_497, %lt3A_498 : i32
      %convert_element_type3A_500 = arith.extui %lt3A_499 : i1 to i32
      %cond3A_501 = arith.constant 0 : i32
      %cond3A_502 = arith.cmpi ne, %convert_element_type3A_500, %cond3A_501 : i32
      scf.if %cond3A_502 {
        %dma_wait3A_540 = arith.constant 6 : i32
        %dma_wait3A_541 = arith.constant 0 : i32
        %dma_wait3A_542 = arith.constant 0 : i32
        %dma_wait3A_543 = tpu.memref_slice %arg6[%dma_wait3A_540, %dma_wait3A_541, %dma_wait3A_542] : memref<8x128x32xf32, #tpu.memory_space<vmem>> -> memref<1x128x32xf32, #tpu.memory_space<vmem>>
        %dma_wait3A_544 = tpu.memref_squeeze %dma_wait3A_543 : memref<1x128x32xf32, #tpu.memory_space<vmem>> -> memref<128x32xf32, #tpu.memory_space<vmem>>
        %dma_wait3A_545 = arith.constant 0 : i32
        %dma_wait3A_546 = arith.constant 0 : i32
        %dma_wait3A_547 = tpu.memref_slice %arg4[%add3A, %add3A_467, %dma_wait3A_545, %dma_wait3A_546] : memref<32x200x128x32xf32, #tpu.memory_space<hbm>> -> memref<1x1x128x32xf32, #tpu.memory_space<hbm>>
        %dma_wait3A_548 = tpu.memref_squeeze %dma_wait3A_547 : memref<1x1x128x32xf32, #tpu.memory_space<hbm>> -> memref<128x32xf32, #tpu.memory_space<hbm>>
        %dma_wait3A_549 = arith.constant 0 : i32
        %dma_wait3A_550 = arith.constant 0 : i32
        %dma_wait3A_551 = tpu.memref_slice %arg4[%add3A, %add3A_467, %dma_wait3A_549, %dma_wait3A_550] : memref<32x200x128x32xf32, #tpu.memory_space<hbm>> -> memref<1x1x128x32xf32, #tpu.memory_space<hbm>>
        %dma_wait3A_552 = tpu.memref_squeeze %dma_wait3A_551 : memref<1x1x128x32xf32, #tpu.memory_space<hbm>> -> memref<128x32xf32, #tpu.memory_space<hbm>>
        %dma_wait3A_553 = arith.constant 0 : i32
        %dma_wait3A_554 = arith.constant 0 : i32
        %dma_wait3A_555 = tpu.memref_slice %arg6[%dma_wait3A_540, %dma_wait3A_553, %dma_wait3A_554] : memref<8x128x32xf32, #tpu.memory_space<vmem>> -> memref<1x128x32xf32, #tpu.memory_space<vmem>>
        %dma_wait3A_556 = tpu.memref_squeeze %dma_wait3A_555 : memref<1x128x32xf32, #tpu.memory_space<vmem>> -> memref<128x32xf32, #tpu.memory_space<vmem>>
        tpu.wait_dma2 semaphore(%arg21 : memref<!tpu.dma_semaphore, #tpu.memory_space<semaphore_mem>>) src(%dma_wait3A_556 : memref<128x32xf32, #tpu.memory_space<vmem>>) dst(%dma_wait3A_552 : memref<128x32xf32, #tpu.memory_space<hbm>>)
        %dma_start3A_557 = arith.constant 6 : i32
        %dma_start3A_558 = arith.constant 0 : i32
        %dma_start3A_559 = arith.constant 0 : i32
        %dma_start3A_560 = tpu.memref_slice %arg6[%dma_start3A_557, %dma_start3A_558, %dma_start3A_559] : memref<8x128x32xf32, #tpu.memory_space<vmem>> -> memref<1x128x32xf32, #tpu.memory_space<vmem>>
        %dma_start3A_561 = tpu.memref_squeeze %dma_start3A_560 : memref<1x128x32xf32, #tpu.memory_space<vmem>> -> memref<128x32xf32, #tpu.memory_space<vmem>>
        %dma_start3A_562 = arith.constant 0 : i32
        %dma_start3A_563 = tpu.memref_slice %arg5[%add3A_497, %dma_start3A_562] : memref<200x128xi32, #tpu.memory_space<vmem>> -> memref<1x128xi32, #tpu.memory_space<vmem>>
        %dma_start3A_564 = tpu.memref_squeeze %dma_start3A_563 : memref<1x128xi32, #tpu.memory_space<vmem>> -> memref<128xi32, #tpu.memory_space<vmem>>
        %dma_start3A_565 = arith.constant 0 : i32
        %dma_start3A_566 = arith.constant 0 : i32
        %dma_start3A_567 = tpu.memref_slice %arg3[%dma_start3A_565, %dma_start3A_566] : memref<1000000x32xf32, #tpu.memory_space<hbm>> -> memref<1000000x32xf32, #tpu.memory_space<hbm>>
        tpu.enqueue_indirect_dma source(%dma_start3A_567 : memref<1000000x32xf32, #tpu.memory_space<hbm>>) target(%dma_start3A_561 : memref<128x32xf32, #tpu.memory_space<vmem>>) offsets(%dma_start3A_564 : memref<128xi32, #tpu.memory_space<vmem>>) semaphore(%arg13 : memref<!tpu.dma_semaphore, #tpu.memory_space<semaphore_mem>>)
      } else {
      }
      %add3A_503 = arith.constant 7 : i32
      %add3A_504 = arith.addi %mul3A_246, %add3A_503 : i32
      %dma_wait3A_505 = arith.constant 7 : i32
      %dma_wait3A_506 = arith.constant 0 : i32
      %dma_wait3A_507 = arith.constant 0 : i32
      %dma_wait3A_508 = tpu.memref_slice %arg6[%dma_wait3A_505, %dma_wait3A_506, %dma_wait3A_507] : memref<8x128x32xf32, #tpu.memory_space<vmem>> -> memref<1x128x32xf32, #tpu.memory_space<vmem>>
      %dma_wait3A_509 = tpu.memref_squeeze %dma_wait3A_508 : memref<1x128x32xf32, #tpu.memory_space<vmem>> -> memref<128x32xf32, #tpu.memory_space<vmem>>
      %dma_wait3A_510 = arith.constant 0 : i32
      %dma_wait3A_511 = tpu.memref_slice %arg5[%add3A_504, %dma_wait3A_510] : memref<200x128xi32, #tpu.memory_space<vmem>> -> memref<1x128xi32, #tpu.memory_space<vmem>>
      %dma_wait3A_512 = tpu.memref_squeeze %dma_wait3A_511 : memref<1x128xi32, #tpu.memory_space<vmem>> -> memref<128xi32, #tpu.memory_space<vmem>>
      %dma_wait3A_513 = arith.constant 0 : i32
      %dma_wait3A_514 = arith.constant 0 : i32
      %dma_wait3A_515 = tpu.memref_slice %arg3[%dma_wait3A_513, %dma_wait3A_514] : memref<1000000x32xf32, #tpu.memory_space<hbm>> -> memref<1000000x32xf32, #tpu.memory_space<hbm>>
      tpu.wait_indirect_dma semaphore(%arg14 : memref<!tpu.dma_semaphore, #tpu.memory_space<semaphore_mem>>) src(%dma_wait3A_515 : memref<1000000x32xf32, #tpu.memory_space<hbm>>) dst(%dma_wait3A_509 : memref<128x32xf32, #tpu.memory_space<vmem>>)
      %dma_start3A_516 = arith.constant 7 : i32
      %dma_start3A_517 = arith.constant 0 : i32
      %dma_start3A_518 = arith.constant 0 : i32
      %dma_start3A_519 = tpu.memref_slice %arg6[%dma_start3A_516, %dma_start3A_517, %dma_start3A_518] : memref<8x128x32xf32, #tpu.memory_space<vmem>> -> memref<1x128x32xf32, #tpu.memory_space<vmem>>
      %dma_start3A_520 = tpu.memref_squeeze %dma_start3A_519 : memref<1x128x32xf32, #tpu.memory_space<vmem>> -> memref<128x32xf32, #tpu.memory_space<vmem>>
      %dma_start3A_521 = arith.constant 0 : i32
      %dma_start3A_522 = arith.constant 0 : i32
      %dma_start3A_523 = tpu.memref_slice %arg4[%add3A, %add3A_504, %dma_start3A_521, %dma_start3A_522] : memref<32x200x128x32xf32, #tpu.memory_space<hbm>> -> memref<1x1x128x32xf32, #tpu.memory_space<hbm>>
      %dma_start3A_524 = tpu.memref_squeeze %dma_start3A_523 : memref<1x1x128x32xf32, #tpu.memory_space<hbm>> -> memref<128x32xf32, #tpu.memory_space<hbm>>
      %dma_start3A_525 = arith.constant 0 : i32
      %dma_start3A_526 = arith.constant 0 : i32
      %dma_start3A_527 = tpu.memref_slice %arg4[%add3A, %add3A_504, %dma_start3A_525, %dma_start3A_526] : memref<32x200x128x32xf32, #tpu.memory_space<hbm>> -> memref<1x1x128x32xf32, #tpu.memory_space<hbm>>
      %dma_start3A_528 = tpu.memref_squeeze %dma_start3A_527 : memref<1x1x128x32xf32, #tpu.memory_space<hbm>> -> memref<128x32xf32, #tpu.memory_space<hbm>>
      %dma_start3A_529 = arith.constant 0 : i32
      %dma_start3A_530 = arith.constant 0 : i32
      %dma_start3A_531 = tpu.memref_slice %arg6[%dma_start3A_516, %dma_start3A_529, %dma_start3A_530] : memref<8x128x32xf32, #tpu.memory_space<vmem>> -> memref<1x128x32xf32, #tpu.memory_space<vmem>>
      %dma_start3A_532 = tpu.memref_squeeze %dma_start3A_531 : memref<1x128x32xf32, #tpu.memory_space<vmem>> -> memref<128x32xf32, #tpu.memory_space<vmem>>
      tpu.enqueue_dma source(%dma_start3A_532 : memref<128x32xf32, #tpu.memory_space<vmem>>) target(%dma_start3A_528 : memref<128x32xf32, #tpu.memory_space<hbm>>) target_semaphore(%arg22 : memref<!tpu.dma_semaphore, #tpu.memory_space<semaphore_mem>>)
      %add3A_533 = arith.constant 8 : i32
      %add3A_534 = arith.addi %add3A_504, %add3A_533 : i32
      %lt3A_535 = arith.constant 200 : i32
      %lt3A_536 = arith.cmpi slt, %add3A_534, %lt3A_535 : i32
      %convert_element_type3A_537 = arith.extui %lt3A_536 : i1 to i32
      %cond3A_538 = arith.constant 0 : i32
      %cond3A_539 = arith.cmpi ne, %convert_element_type3A_537, %cond3A_538 : i32
      scf.if %cond3A_539 {
        %dma_wait3A_540 = arith.constant 7 : i32
        %dma_wait3A_541 = arith.constant 0 : i32
        %dma_wait3A_542 = arith.constant 0 : i32
        %dma_wait3A_543 = tpu.memref_slice %arg6[%dma_wait3A_540, %dma_wait3A_541, %dma_wait3A_542] : memref<8x128x32xf32, #tpu.memory_space<vmem>> -> memref<1x128x32xf32, #tpu.memory_space<vmem>>
        %dma_wait3A_544 = tpu.memref_squeeze %dma_wait3A_543 : memref<1x128x32xf32, #tpu.memory_space<vmem>> -> memref<128x32xf32, #tpu.memory_space<vmem>>
        %dma_wait3A_545 = arith.constant 0 : i32
        %dma_wait3A_546 = arith.constant 0 : i32
        %dma_wait3A_547 = tpu.memref_slice %arg4[%add3A, %add3A_504, %dma_wait3A_545, %dma_wait3A_546] : memref<32x200x128x32xf32, #tpu.memory_space<hbm>> -> memref<1x1x128x32xf32, #tpu.memory_space<hbm>>
        %dma_wait3A_548 = tpu.memref_squeeze %dma_wait3A_547 : memref<1x1x128x32xf32, #tpu.memory_space<hbm>> -> memref<128x32xf32, #tpu.memory_space<hbm>>
        %dma_wait3A_549 = arith.constant 0 : i32
        %dma_wait3A_550 = arith.constant 0 : i32
        %dma_wait3A_551 = tpu.memref_slice %arg4[%add3A, %add3A_504, %dma_wait3A_549, %dma_wait3A_550] : memref<32x200x128x32xf32, #tpu.memory_space<hbm>> -> memref<1x1x128x32xf32, #tpu.memory_space<hbm>>
        %dma_wait3A_552 = tpu.memref_squeeze %dma_wait3A_551 : memref<1x1x128x32xf32, #tpu.memory_space<hbm>> -> memref<128x32xf32, #tpu.memory_space<hbm>>
        %dma_wait3A_553 = arith.constant 0 : i32
        %dma_wait3A_554 = arith.constant 0 : i32
        %dma_wait3A_555 = tpu.memref_slice %arg6[%dma_wait3A_540, %dma_wait3A_553, %dma_wait3A_554] : memref<8x128x32xf32, #tpu.memory_space<vmem>> -> memref<1x128x32xf32, #tpu.memory_space<vmem>>
        %dma_wait3A_556 = tpu.memref_squeeze %dma_wait3A_555 : memref<1x128x32xf32, #tpu.memory_space<vmem>> -> memref<128x32xf32, #tpu.memory_space<vmem>>
        tpu.wait_dma2 semaphore(%arg22 : memref<!tpu.dma_semaphore, #tpu.memory_space<semaphore_mem>>) src(%dma_wait3A_556 : memref<128x32xf32, #tpu.memory_space<vmem>>) dst(%dma_wait3A_552 : memref<128x32xf32, #tpu.memory_space<hbm>>)
        %dma_start3A_557 = arith.constant 7 : i32
        %dma_start3A_558 = arith.constant 0 : i32
        %dma_start3A_559 = arith.constant 0 : i32
        %dma_start3A_560 = tpu.memref_slice %arg6[%dma_start3A_557, %dma_start3A_558, %dma_start3A_559] : memref<8x128x32xf32, #tpu.memory_space<vmem>> -> memref<1x128x32xf32, #tpu.memory_space<vmem>>
        %dma_start3A_561 = tpu.memref_squeeze %dma_start3A_560 : memref<1x128x32xf32, #tpu.memory_space<vmem>> -> memref<128x32xf32, #tpu.memory_space<vmem>>
        %dma_start3A_562 = arith.constant 0 : i32
        %dma_start3A_563 = tpu.memref_slice %arg5[%add3A_534, %dma_start3A_562] : memref<200x128xi32, #tpu.memory_space<vmem>> -> memref<1x128xi32, #tpu.memory_space<vmem>>
        %dma_start3A_564 = tpu.memref_squeeze %dma_start3A_563 : memref<1x128xi32, #tpu.memory_space<vmem>> -> memref<128xi32, #tpu.memory_space<vmem>>
        %dma_start3A_565 = arith.constant 0 : i32
        %dma_start3A_566 = arith.constant 0 : i32
        %dma_start3A_567 = tpu.memref_slice %arg3[%dma_start3A_565, %dma_start3A_566] : memref<1000000x32xf32, #tpu.memory_space<hbm>> -> memref<1000000x32xf32, #tpu.memory_space<hbm>>
        tpu.enqueue_indirect_dma source(%dma_start3A_567 : memref<1000000x32xf32, #tpu.memory_space<hbm>>) target(%dma_start3A_561 : memref<128x32xf32, #tpu.memory_space<vmem>>) offsets(%dma_start3A_564 : memref<128xi32, #tpu.memory_space<vmem>>) semaphore(%arg14 : memref<!tpu.dma_semaphore, #tpu.memory_space<semaphore_mem>>)
      } else {
      }
    }
    %scan3A_100 = arith.constant 25 : i32
    %dma_wait3A = arith.constant 0 : i32
    %dma_wait3A_101 = arith.constant 192 : i32
    %dma_wait3A_102 = arith.constant 0 : i32
    %dma_wait3A_103 = arith.constant 0 : i32
    %dma_wait3A_104 = tpu.memref_slice %arg6[%dma_wait3A, %dma_wait3A_102, %dma_wait3A_103] : memref<8x128x32xf32, #tpu.memory_space<vmem>> -> memref<1x128x32xf32, #tpu.memory_space<vmem>>
    %dma_wait3A_105 = tpu.memref_squeeze %dma_wait3A_104 : memref<1x128x32xf32, #tpu.memory_space<vmem>> -> memref<128x32xf32, #tpu.memory_space<vmem>>
    %dma_wait3A_106 = arith.constant 0 : i32
    %dma_wait3A_107 = arith.constant 0 : i32
    %dma_wait3A_108 = tpu.memref_slice %arg4[%add3A, %dma_wait3A_101, %dma_wait3A_106, %dma_wait3A_107] : memref<32x200x128x32xf32, #tpu.memory_space<hbm>> -> memref<1x1x128x32xf32, #tpu.memory_space<hbm>>
    %dma_wait3A_109 = tpu.memref_squeeze %dma_wait3A_108 : memref<1x1x128x32xf32, #tpu.memory_space<hbm>> -> memref<128x32xf32, #tpu.memory_space<hbm>>
    %dma_wait3A_110 = arith.constant 0 : i32
    %dma_wait3A_111 = arith.constant 0 : i32
    %dma_wait3A_112 = tpu.memref_slice %arg4[%add3A, %dma_wait3A_101, %dma_wait3A_110, %dma_wait3A_111] : memref<32x200x128x32xf32, #tpu.memory_space<hbm>> -> memref<1x1x128x32xf32, #tpu.memory_space<hbm>>
    %dma_wait3A_113 = tpu.memref_squeeze %dma_wait3A_112 : memref<1x1x128x32xf32, #tpu.memory_space<hbm>> -> memref<128x32xf32, #tpu.memory_space<hbm>>
    %dma_wait3A_114 = arith.constant 0 : i32
    %dma_wait3A_115 = arith.constant 0 : i32
    %dma_wait3A_116 = tpu.memref_slice %arg6[%dma_wait3A, %dma_wait3A_114, %dma_wait3A_115] : memref<8x128x32xf32, #tpu.memory_space<vmem>> -> memref<1x128x32xf32, #tpu.memory_space<vmem>>
    %dma_wait3A_117 = tpu.memref_squeeze %dma_wait3A_116 : memref<1x128x32xf32, #tpu.memory_space<vmem>> -> memref<128x32xf32, #tpu.memory_space<vmem>>
    tpu.wait_dma2 semaphore(%arg15 : memref<!tpu.dma_semaphore, #tpu.memory_space<semaphore_mem>>) src(%dma_wait3A_117 : memref<128x32xf32, #tpu.memory_space<vmem>>) dst(%dma_wait3A_113 : memref<128x32xf32, #tpu.memory_space<hbm>>)
    %dma_wait3A_118 = arith.constant 1 : i32
    %dma_wait3A_119 = arith.constant 193 : i32
    %dma_wait3A_120 = arith.constant 0 : i32
    %dma_wait3A_121 = arith.constant 0 : i32
    %dma_wait3A_122 = tpu.memref_slice %arg6[%dma_wait3A_118, %dma_wait3A_120, %dma_wait3A_121] : memref<8x128x32xf32, #tpu.memory_space<vmem>> -> memref<1x128x32xf32, #tpu.memory_space<vmem>>
    %dma_wait3A_123 = tpu.memref_squeeze %dma_wait3A_122 : memref<1x128x32xf32, #tpu.memory_space<vmem>> -> memref<128x32xf32, #tpu.memory_space<vmem>>
    %dma_wait3A_124 = arith.constant 0 : i32
    %dma_wait3A_125 = arith.constant 0 : i32
    %dma_wait3A_126 = tpu.memref_slice %arg4[%add3A, %dma_wait3A_119, %dma_wait3A_124, %dma_wait3A_125] : memref<32x200x128x32xf32, #tpu.memory_space<hbm>> -> memref<1x1x128x32xf32, #tpu.memory_space<hbm>>
    %dma_wait3A_127 = tpu.memref_squeeze %dma_wait3A_126 : memref<1x1x128x32xf32, #tpu.memory_space<hbm>> -> memref<128x32xf32, #tpu.memory_space<hbm>>
    %dma_wait3A_128 = arith.constant 0 : i32
    %dma_wait3A_129 = arith.constant 0 : i32
    %dma_wait3A_130 = tpu.memref_slice %arg4[%add3A, %dma_wait3A_119, %dma_wait3A_128, %dma_wait3A_129] : memref<32x200x128x32xf32, #tpu.memory_space<hbm>> -> memref<1x1x128x32xf32, #tpu.memory_space<hbm>>
    %dma_wait3A_131 = tpu.memref_squeeze %dma_wait3A_130 : memref<1x1x128x32xf32, #tpu.memory_space<hbm>> -> memref<128x32xf32, #tpu.memory_space<hbm>>
    %dma_wait3A_132 = arith.constant 0 : i32
    %dma_wait3A_133 = arith.constant 0 : i32
    %dma_wait3A_134 = tpu.memref_slice %arg6[%dma_wait3A_118, %dma_wait3A_132, %dma_wait3A_133] : memref<8x128x32xf32, #tpu.memory_space<vmem>> -> memref<1x128x32xf32, #tpu.memory_space<vmem>>
    %dma_wait3A_135 = tpu.memref_squeeze %dma_wait3A_134 : memref<1x128x32xf32, #tpu.memory_space<vmem>> -> memref<128x32xf32, #tpu.memory_space<vmem>>
    tpu.wait_dma2 semaphore(%arg16 : memref<!tpu.dma_semaphore, #tpu.memory_space<semaphore_mem>>) src(%dma_wait3A_135 : memref<128x32xf32, #tpu.memory_space<vmem>>) dst(%dma_wait3A_131 : memref<128x32xf32, #tpu.memory_space<hbm>>)
    %dma_wait3A_136 = arith.constant 2 : i32
    %dma_wait3A_137 = arith.constant 194 : i32
    %dma_wait3A_138 = arith.constant 0 : i32
    %dma_wait3A_139 = arith.constant 0 : i32
    %dma_wait3A_140 = tpu.memref_slice %arg6[%dma_wait3A_136, %dma_wait3A_138, %dma_wait3A_139] : memref<8x128x32xf32, #tpu.memory_space<vmem>> -> memref<1x128x32xf32, #tpu.memory_space<vmem>>
    %dma_wait3A_141 = tpu.memref_squeeze %dma_wait3A_140 : memref<1x128x32xf32, #tpu.memory_space<vmem>> -> memref<128x32xf32, #tpu.memory_space<vmem>>
    %dma_wait3A_142 = arith.constant 0 : i32
    %dma_wait3A_143 = arith.constant 0 : i32
    %dma_wait3A_144 = tpu.memref_slice %arg4[%add3A, %dma_wait3A_137, %dma_wait3A_142, %dma_wait3A_143] : memref<32x200x128x32xf32, #tpu.memory_space<hbm>> -> memref<1x1x128x32xf32, #tpu.memory_space<hbm>>
    %dma_wait3A_145 = tpu.memref_squeeze %dma_wait3A_144 : memref<1x1x128x32xf32, #tpu.memory_space<hbm>> -> memref<128x32xf32, #tpu.memory_space<hbm>>
    %dma_wait3A_146 = arith.constant 0 : i32
    %dma_wait3A_147 = arith.constant 0 : i32
    %dma_wait3A_148 = tpu.memref_slice %arg4[%add3A, %dma_wait3A_137, %dma_wait3A_146, %dma_wait3A_147] : memref<32x200x128x32xf32, #tpu.memory_space<hbm>> -> memref<1x1x128x32xf32, #tpu.memory_space<hbm>>
    %dma_wait3A_149 = tpu.memref_squeeze %dma_wait3A_148 : memref<1x1x128x32xf32, #tpu.memory_space<hbm>> -> memref<128x32xf32, #tpu.memory_space<hbm>>
    %dma_wait3A_150 = arith.constant 0 : i32
    %dma_wait3A_151 = arith.constant 0 : i32
    %dma_wait3A_152 = tpu.memref_slice %arg6[%dma_wait3A_136, %dma_wait3A_150, %dma_wait3A_151] : memref<8x128x32xf32, #tpu.memory_space<vmem>> -> memref<1x128x32xf32, #tpu.memory_space<vmem>>
    %dma_wait3A_153 = tpu.memref_squeeze %dma_wait3A_152 : memref<1x128x32xf32, #tpu.memory_space<vmem>> -> memref<128x32xf32, #tpu.memory_space<vmem>>
    tpu.wait_dma2 semaphore(%arg17 : memref<!tpu.dma_semaphore, #tpu.memory_space<semaphore_mem>>) src(%dma_wait3A_153 : memref<128x32xf32, #tpu.memory_space<vmem>>) dst(%dma_wait3A_149 : memref<128x32xf32, #tpu.memory_space<hbm>>)
    %dma_wait3A_154 = arith.constant 3 : i32
    %dma_wait3A_155 = arith.constant 195 : i32
    %dma_wait3A_156 = arith.constant 0 : i32
    %dma_wait3A_157 = arith.constant 0 : i32
    %dma_wait3A_158 = tpu.memref_slice %arg6[%dma_wait3A_154, %dma_wait3A_156, %dma_wait3A_157] : memref<8x128x32xf32, #tpu.memory_space<vmem>> -> memref<1x128x32xf32, #tpu.memory_space<vmem>>
    %dma_wait3A_159 = tpu.memref_squeeze %dma_wait3A_158 : memref<1x128x32xf32, #tpu.memory_space<vmem>> -> memref<128x32xf32, #tpu.memory_space<vmem>>
    %dma_wait3A_160 = arith.constant 0 : i32
    %dma_wait3A_161 = arith.constant 0 : i32
    %dma_wait3A_162 = tpu.memref_slice %arg4[%add3A, %dma_wait3A_155, %dma_wait3A_160, %dma_wait3A_161] : memref<32x200x128x32xf32, #tpu.memory_space<hbm>> -> memref<1x1x128x32xf32, #tpu.memory_space<hbm>>
    %dma_wait3A_163 = tpu.memref_squeeze %dma_wait3A_162 : memref<1x1x128x32xf32, #tpu.memory_space<hbm>> -> memref<128x32xf32, #tpu.memory_space<hbm>>
    %dma_wait3A_164 = arith.constant 0 : i32
    %dma_wait3A_165 = arith.constant 0 : i32
    %dma_wait3A_166 = tpu.memref_slice %arg4[%add3A, %dma_wait3A_155, %dma_wait3A_164, %dma_wait3A_165] : memref<32x200x128x32xf32, #tpu.memory_space<hbm>> -> memref<1x1x128x32xf32, #tpu.memory_space<hbm>>
    %dma_wait3A_167 = tpu.memref_squeeze %dma_wait3A_166 : memref<1x1x128x32xf32, #tpu.memory_space<hbm>> -> memref<128x32xf32, #tpu.memory_space<hbm>>
    %dma_wait3A_168 = arith.constant 0 : i32
    %dma_wait3A_169 = arith.constant 0 : i32
    %dma_wait3A_170 = tpu.memref_slice %arg6[%dma_wait3A_154, %dma_wait3A_168, %dma_wait3A_169] : memref<8x128x32xf32, #tpu.memory_space<vmem>> -> memref<1x128x32xf32, #tpu.memory_space<vmem>>
    %dma_wait3A_171 = tpu.memref_squeeze %dma_wait3A_170 : memref<1x128x32xf32, #tpu.memory_space<vmem>> -> memref<128x32xf32, #tpu.memory_space<vmem>>
    tpu.wait_dma2 semaphore(%arg18 : memref<!tpu.dma_semaphore, #tpu.memory_space<semaphore_mem>>) src(%dma_wait3A_171 : memref<128x32xf32, #tpu.memory_space<vmem>>) dst(%dma_wait3A_167 : memref<128x32xf32, #tpu.memory_space<hbm>>)
    %dma_wait3A_172 = arith.constant 4 : i32
    %dma_wait3A_173 = arith.constant 196 : i32
    %dma_wait3A_174 = arith.constant 0 : i32
    %dma_wait3A_175 = arith.constant 0 : i32
    %dma_wait3A_176 = tpu.memref_slice %arg6[%dma_wait3A_172, %dma_wait3A_174, %dma_wait3A_175] : memref<8x128x32xf32, #tpu.memory_space<vmem>> -> memref<1x128x32xf32, #tpu.memory_space<vmem>>
    %dma_wait3A_177 = tpu.memref_squeeze %dma_wait3A_176 : memref<1x128x32xf32, #tpu.memory_space<vmem>> -> memref<128x32xf32, #tpu.memory_space<vmem>>
    %dma_wait3A_178 = arith.constant 0 : i32
    %dma_wait3A_179 = arith.constant 0 : i32
    %dma_wait3A_180 = tpu.memref_slice %arg4[%add3A, %dma_wait3A_173, %dma_wait3A_178, %dma_wait3A_179] : memref<32x200x128x32xf32, #tpu.memory_space<hbm>> -> memref<1x1x128x32xf32, #tpu.memory_space<hbm>>
    %dma_wait3A_181 = tpu.memref_squeeze %dma_wait3A_180 : memref<1x1x128x32xf32, #tpu.memory_space<hbm>> -> memref<128x32xf32, #tpu.memory_space<hbm>>
    %dma_wait3A_182 = arith.constant 0 : i32
    %dma_wait3A_183 = arith.constant 0 : i32
    %dma_wait3A_184 = tpu.memref_slice %arg4[%add3A, %dma_wait3A_173, %dma_wait3A_182, %dma_wait3A_183] : memref<32x200x128x32xf32, #tpu.memory_space<hbm>> -> memref<1x1x128x32xf32, #tpu.memory_space<hbm>>
    %dma_wait3A_185 = tpu.memref_squeeze %dma_wait3A_184 : memref<1x1x128x32xf32, #tpu.memory_space<hbm>> -> memref<128x32xf32, #tpu.memory_space<hbm>>
    %dma_wait3A_186 = arith.constant 0 : i32
    %dma_wait3A_187 = arith.constant 0 : i32
    %dma_wait3A_188 = tpu.memref_slice %arg6[%dma_wait3A_172, %dma_wait3A_186, %dma_wait3A_187] : memref<8x128x32xf32, #tpu.memory_space<vmem>> -> memref<1x128x32xf32, #tpu.memory_space<vmem>>
    %dma_wait3A_189 = tpu.memref_squeeze %dma_wait3A_188 : memref<1x128x32xf32, #tpu.memory_space<vmem>> -> memref<128x32xf32, #tpu.memory_space<vmem>>
    tpu.wait_dma2 semaphore(%arg19 : memref<!tpu.dma_semaphore, #tpu.memory_space<semaphore_mem>>) src(%dma_wait3A_189 : memref<128x32xf32, #tpu.memory_space<vmem>>) dst(%dma_wait3A_185 : memref<128x32xf32, #tpu.memory_space<hbm>>)
    %dma_wait3A_190 = arith.constant 5 : i32
    %dma_wait3A_191 = arith.constant 197 : i32
    %dma_wait3A_192 = arith.constant 0 : i32
    %dma_wait3A_193 = arith.constant 0 : i32
    %dma_wait3A_194 = tpu.memref_slice %arg6[%dma_wait3A_190, %dma_wait3A_192, %dma_wait3A_193] : memref<8x128x32xf32, #tpu.memory_space<vmem>> -> memref<1x128x32xf32, #tpu.memory_space<vmem>>
    %dma_wait3A_195 = tpu.memref_squeeze %dma_wait3A_194 : memref<1x128x32xf32, #tpu.memory_space<vmem>> -> memref<128x32xf32, #tpu.memory_space<vmem>>
    %dma_wait3A_196 = arith.constant 0 : i32
    %dma_wait3A_197 = arith.constant 0 : i32
    %dma_wait3A_198 = tpu.memref_slice %arg4[%add3A, %dma_wait3A_191, %dma_wait3A_196, %dma_wait3A_197] : memref<32x200x128x32xf32, #tpu.memory_space<hbm>> -> memref<1x1x128x32xf32, #tpu.memory_space<hbm>>
    %dma_wait3A_199 = tpu.memref_squeeze %dma_wait3A_198 : memref<1x1x128x32xf32, #tpu.memory_space<hbm>> -> memref<128x32xf32, #tpu.memory_space<hbm>>
    %dma_wait3A_200 = arith.constant 0 : i32
    %dma_wait3A_201 = arith.constant 0 : i32
    %dma_wait3A_202 = tpu.memref_slice %arg4[%add3A, %dma_wait3A_191, %dma_wait3A_200, %dma_wait3A_201] : memref<32x200x128x32xf32, #tpu.memory_space<hbm>> -> memref<1x1x128x32xf32, #tpu.memory_space<hbm>>
    %dma_wait3A_203 = tpu.memref_squeeze %dma_wait3A_202 : memref<1x1x128x32xf32, #tpu.memory_space<hbm>> -> memref<128x32xf32, #tpu.memory_space<hbm>>
    %dma_wait3A_204 = arith.constant 0 : i32
    %dma_wait3A_205 = arith.constant 0 : i32
    %dma_wait3A_206 = tpu.memref_slice %arg6[%dma_wait3A_190, %dma_wait3A_204, %dma_wait3A_205] : memref<8x128x32xf32, #tpu.memory_space<vmem>> -> memref<1x128x32xf32, #tpu.memory_space<vmem>>
    %dma_wait3A_207 = tpu.memref_squeeze %dma_wait3A_206 : memref<1x128x32xf32, #tpu.memory_space<vmem>> -> memref<128x32xf32, #tpu.memory_space<vmem>>
    tpu.wait_dma2 semaphore(%arg20 : memref<!tpu.dma_semaphore, #tpu.memory_space<semaphore_mem>>) src(%dma_wait3A_207 : memref<128x32xf32, #tpu.memory_space<vmem>>) dst(%dma_wait3A_203 : memref<128x32xf32, #tpu.memory_space<hbm>>)
    %dma_wait3A_208 = arith.constant 6 : i32
    %dma_wait3A_209 = arith.constant 198 : i32
    %dma_wait3A_210 = arith.constant 0 : i32
    %dma_wait3A_211 = arith.constant 0 : i32
    %dma_wait3A_212 = tpu.memref_slice %arg6[%dma_wait3A_208, %dma_wait3A_210, %dma_wait3A_211] : memref<8x128x32xf32, #tpu.memory_space<vmem>> -> memref<1x128x32xf32, #tpu.memory_space<vmem>>
    %dma_wait3A_213 = tpu.memref_squeeze %dma_wait3A_212 : memref<1x128x32xf32, #tpu.memory_space<vmem>> -> memref<128x32xf32, #tpu.memory_space<vmem>>
    %dma_wait3A_214 = arith.constant 0 : i32
    %dma_wait3A_215 = arith.constant 0 : i32
    %dma_wait3A_216 = tpu.memref_slice %arg4[%add3A, %dma_wait3A_209, %dma_wait3A_214, %dma_wait3A_215] : memref<32x200x128x32xf32, #tpu.memory_space<hbm>> -> memref<1x1x128x32xf32, #tpu.memory_space<hbm>>
    %dma_wait3A_217 = tpu.memref_squeeze %dma_wait3A_216 : memref<1x1x128x32xf32, #tpu.memory_space<hbm>> -> memref<128x32xf32, #tpu.memory_space<hbm>>
    %dma_wait3A_218 = arith.constant 0 : i32
    %dma_wait3A_219 = arith.constant 0 : i32
    %dma_wait3A_220 = tpu.memref_slice %arg4[%add3A, %dma_wait3A_209, %dma_wait3A_218, %dma_wait3A_219] : memref<32x200x128x32xf32, #tpu.memory_space<hbm>> -> memref<1x1x128x32xf32, #tpu.memory_space<hbm>>
    %dma_wait3A_221 = tpu.memref_squeeze %dma_wait3A_220 : memref<1x1x128x32xf32, #tpu.memory_space<hbm>> -> memref<128x32xf32, #tpu.memory_space<hbm>>
    %dma_wait3A_222 = arith.constant 0 : i32
    %dma_wait3A_223 = arith.constant 0 : i32
    %dma_wait3A_224 = tpu.memref_slice %arg6[%dma_wait3A_208, %dma_wait3A_222, %dma_wait3A_223] : memref<8x128x32xf32, #tpu.memory_space<vmem>> -> memref<1x128x32xf32, #tpu.memory_space<vmem>>
    %dma_wait3A_225 = tpu.memref_squeeze %dma_wait3A_224 : memref<1x128x32xf32, #tpu.memory_space<vmem>> -> memref<128x32xf32, #tpu.memory_space<vmem>>
    tpu.wait_dma2 semaphore(%arg21 : memref<!tpu.dma_semaphore, #tpu.memory_space<semaphore_mem>>) src(%dma_wait3A_225 : memref<128x32xf32, #tpu.memory_space<vmem>>) dst(%dma_wait3A_221 : memref<128x32xf32, #tpu.memory_space<hbm>>)
    %dma_wait3A_226 = arith.constant 7 : i32
    %dma_wait3A_227 = arith.constant 199 : i32
    %dma_wait3A_228 = arith.constant 0 : i32
    %dma_wait3A_229 = arith.constant 0 : i32
    %dma_wait3A_230 = tpu.memref_slice %arg6[%dma_wait3A_226, %dma_wait3A_228, %dma_wait3A_229] : memref<8x128x32xf32, #tpu.memory_space<vmem>> -> memref<1x128x32xf32, #tpu.memory_space<vmem>>
    %dma_wait3A_231 = tpu.memref_squeeze %dma_wait3A_230 : memref<1x128x32xf32, #tpu.memory_space<vmem>> -> memref<128x32xf32, #tpu.memory_space<vmem>>
    %dma_wait3A_232 = arith.constant 0 : i32
    %dma_wait3A_233 = arith.constant 0 : i32
    %dma_wait3A_234 = tpu.memref_slice %arg4[%add3A, %dma_wait3A_227, %dma_wait3A_232, %dma_wait3A_233] : memref<32x200x128x32xf32, #tpu.memory_space<hbm>> -> memref<1x1x128x32xf32, #tpu.memory_space<hbm>>
    %dma_wait3A_235 = tpu.memref_squeeze %dma_wait3A_234 : memref<1x1x128x32xf32, #tpu.memory_space<hbm>> -> memref<128x32xf32, #tpu.memory_space<hbm>>
    %dma_wait3A_236 = arith.constant 0 : i32
    %dma_wait3A_237 = arith.constant 0 : i32
    %dma_wait3A_238 = tpu.memref_slice %arg4[%add3A, %dma_wait3A_227, %dma_wait3A_236, %dma_wait3A_237] : memref<32x200x128x32xf32, #tpu.memory_space<hbm>> -> memref<1x1x128x32xf32, #tpu.memory_space<hbm>>
    %dma_wait3A_239 = tpu.memref_squeeze %dma_wait3A_238 : memref<1x1x128x32xf32, #tpu.memory_space<hbm>> -> memref<128x32xf32, #tpu.memory_space<hbm>>
    %dma_wait3A_240 = arith.constant 0 : i32
    %dma_wait3A_241 = arith.constant 0 : i32
    %dma_wait3A_242 = tpu.memref_slice %arg6[%dma_wait3A_226, %dma_wait3A_240, %dma_wait3A_241] : memref<8x128x32xf32, #tpu.memory_space<vmem>> -> memref<1x128x32xf32, #tpu.memory_space<vmem>>
    %dma_wait3A_243 = tpu.memref_squeeze %dma_wait3A_242 : memref<1x128x32xf32, #tpu.memory_space<vmem>> -> memref<128x32xf32, #tpu.memory_space<vmem>>
    tpu.wait_dma2 semaphore(%arg22 : memref<!tpu.dma_semaphore, #tpu.memory_space<semaphore_mem>>) src(%dma_wait3A_243 : memref<128x32xf32, #tpu.memory_space<vmem>>) dst(%dma_wait3A_239 : memref<128x32xf32, #tpu.memory_space<hbm>>)
    return
  }
}

</mosaic_0001>

<sc_bundles>
// kernel: kernel.3.cloned.1.call-start
scs
__scs_entry_jumppad:
0x0: {  	(pc) =	sbr.rel $0x88, $3  }
0x1: {  	(tag) =	ssettag $0x0;
	lr =	simm.s32 $0x1  }
0x2: {  	[smem:$0x3F9F] =	sst lr;
	_ =	strace $0xD0000000  }
0x3: {  	_ = 	snop  }
0x4: {  	_ = 	snop  }
0x5: {  	_ = 	snop  }
0x6: {  	_ = 	snop  }
0x7: {  	_ = 	snop  }
__scs_overlays_trampoline_lowered:
0x8: {  	[smem:$0x3FAE] =	sst s0  }
0x9: {  	[smem:$0x3FAF] =	sst s1  }
0xa: {  	[smem:$0x3FB0] =	sst s2  }
0xb: {  	[smem:$0x3FB1] =	sst s3  }
0xc: {  	[smem:$0x3FB2] =	sst s4  }
0xd: {  	[smem:$0x3FB3] =	sst s5  }
0xe: {  	[smem:$0x3FB4] =	sst s6  }
0xf: {  	[smem:$0x3FB5] =	sst s7  }
0x10: {  	[smem:$0x3FB6] =	sst s8  }
0x11: {  	[smem:$0x3FB7] =	sst s9;
	s0 =	simm.s32 @!p0 $0x0  }
0x12: {  	s1 =	sld [smem:$0x3F9D];
	s0 =	simm.s32 @p0 $0x1  }
0x13: {  	[smem:$0x3FB8] =	sst s0;
	s0 =	simm.s32 @!p1 $0x0  }
0x14: {  	s2 =	sld [smem:$0x3F9C];
	s0 =	simm.s32 @p1 $0x1  }
0x15: {  	[smem:$0x3FB9] =	sst s0;
	s0 =	simm.s32 @!p2 $0x0  }
0x16: {  	s3 =	sld [smem:$0x3FDB];
	s0 =	simm.s32 @p2 $0x1  }
0x17: {  	s4 =	simm.s32 $0x1BF5;
	[smem:$0x3FBB] =	sst s0  }
0x18: {  	s0 =	sld [smem:$0x3F9E];
	_ =	swait.ge [sflag:s4], $0x0  }
0x19: {  	s7 =	sld [smem:$0x3F9F]  }
0x1a: {  	s8 =	sadd.s32 $0xFFFFE003, lr  }
0x1b: {  	s9 =	sadd.s32 $0xFFFFFEF7, lr;
	s5 =	simm.s32 $0xFFFFFFFF;
	p2 =	slt.u32 s8, $0xFFFFF086  }
0x1c: {  	p1 =	slt.u32 s9, $0xF7A;
	s5 =	simm.s32 @!p2 $0x0  }
0x1d: {  	s5 =	simm.s32 @p1 $0x1;
	p0 =	seq.s32 s7, s2  }
0x1e: {  	s7 =	smul.u32 @!p0 $0xF7A, s2;
	p2 =	seq.s32 @!p0 s5, $0x0  }
0x1f: {  	s9 =	smul.u32 $0xF7A, s1;
	s8 =	simm.s32 @!p0 $0x1BF5;
	p2 =	por !p2, p0  }
0x20: {  	[sflag:s8] =	ssyncset.s32 @!p0 $0xFFFFF086;
	s6 =	sadd.s32 @!p0 s3, s7;
	s7 =	simm.s32 @!p0 $0x108  }
0x21: {  	s3 =	sadd.s32 s3, s9;
	s6 =	sadd.s32 @!p0 $0x88, s6;
	s7 =	simm.s32 @p2 $0x1082  }
0x22: {  	[simem:s7], [sflag:s8] =	dma.local @!p0 [hbm:s6], $0xF7A  }
0x23: {  	s9 =	sor.u32 $0xD0000000, s2;
	s6 =	simm.s32 $0x108;
	_ =	swait.ge @!p0 [sflag:s8], $0x0  }
0x24: {  	s3 =	sadd.s32 $0x88, s3;
	s6 =	simm.s32 @!p1 $0x1082;
	[sflag:s4] =	ssyncset.s32 $0xFFFFF086  }
0x25: {  	[simem:s6], [sflag:s4] =	dma.local [hbm:s3], $0xF7A  }
0x26: {  	[smem:$0x3F9F] =	sst s1;
	(tag) =	ssettag s2;
	_ =	strace s9  }
0x27: {  	s1 =	sld [smem:$0x3FAF]  }
0x28: {  	s2 =	sld [smem:$0x3FB0]  }
0x29: {  	s4 =	sld [smem:$0x3FB2]  }
0x2a: {  	p0 =	seq.s32 s5, $0x0;
	s5 =	sld [smem:$0x3FB3]  }
0x2b: {  	s6 =	sld [smem:$0x3FB4]  }
0x2c: {  	s7 =	sld [smem:$0x3FB5]  }
0x2d: {  	s3 =	simm.s32 $0x108;
	s8 =	sld [smem:$0x3FB6]  }
0x2e: {  	s3 =	simm.s32 @!p0 $0x1082;
	s9 =	sld [smem:$0x3FB7]  }
0x2f: {  	lr =	sadd.s32 s0, s3;
	s0 =	sld [smem:$0x3FAE]  }
0x30: {  	s3 =	sld [smem:$0x3FB1]  }
0x31: {  	[smem:$0x3FBA] =	sst s10  }
0x32: {  	s10 =	sld [smem:$0x3FB8];
	_ =	sdelay $0x3  }
0x33: {  	p0 =	seq.s32 s10, $0x1;
	s10 =	sld [smem:$0x3FBA];
	_ =	sdelay $0x3  }
0x34: {  	[smem:$0x3FBA] =	sst s10  }
0x35: {  	s10 =	sld [smem:$0x3FB9];
	_ =	sdelay $0x3  }
0x36: {  	p1 =	seq.s32 s10, $0x1;
	s10 =	sld [smem:$0x3FBA];
	_ =	sdelay $0x3  }
0x37: {  	[smem:$0x3FBA] =	sst s10  }
0x38: {  	s10 =	sld [smem:$0x3FBB]  }
0x39: {  	_ = 	snop;
	(pc) =	sbr.ind lr, $3  }
0x3a: {  	_ = 	snop  }
0x3b: {  	_ = 	snop  }
0x3c: {  	p2 =	seq.s32 s10, $0x1;
	s10 =	sld [smem:$0x3FBA]  }
0x3d: {  	_ =	shalt  }
0x3e: {  	_ =	shalt  }
0x3f: {  	_ =	shalt  }
0x40: {  	_ =	shalt  }
0x41: {  	_ =	shalt  }
0x42: {  	_ =	shalt  }
0x43: {  	_ =	shalt  }
0x44: {  	_ =	shalt  }
0x45: {  	_ =	shalt  }
0x46: {  	_ =	shalt  }
0x47: {  	_ =	shalt  }
0x48: {  	_ =	shalt  }
0x49: {  	_ =	shalt  }
0x4a: {  	_ =	shalt  }
0x4b: {  	_ =	shalt  }
0x4c: {  	_ =	shalt  }
0x4d: {  	_ =	shalt  }
0x4e: {  	_ =	shalt  }
0x4f: {  	_ =	shalt  }
0x50: {  	_ =	shalt  }
0x51: {  	_ =	shalt  }
0x52: {  	_ =	shalt  }
0x53: {  	_ =	shalt  }
0x54: {  	_ =	shalt  }
0x55: {  	_ =	shalt  }
0x56: {  	_ =	shalt  }
0x57: {  	_ =	shalt  }
0x58: {  	_ =	shalt  }
0x59: {  	_ =	shalt  }
0x5a: {  	_ =	shalt  }
0x5b: {  	_ =	shalt  }
0x5c: {  	_ =	shalt  }
0x5d: {  	_ =	shalt  }
0x5e: {  	_ =	shalt  }
0x5f: {  	_ =	shalt  }
0x60: {  	_ =	shalt  }
0x61: {  	_ =	shalt  }
0x62: {  	_ =	shalt  }
0x63: {  	_ =	shalt  }
0x64: {  	_ =	shalt  }
0x65: {  	_ =	shalt  }
0x66: {  	_ =	shalt  }
0x67: {  	_ =	shalt  }
0x68: {  	_ =	shalt  }
0x69: {  	_ =	shalt  }
0x6a: {  	_ =	shalt  }
0x6b: {  	_ =	shalt  }
0x6c: {  	_ =	shalt  }
0x6d: {  	_ =	shalt  }
0x6e: {  	_ =	shalt  }
0x6f: {  	_ =	shalt  }
0x70: {  	_ =	shalt  }
0x71: {  	_ =	shalt  }
0x72: {  	_ =	shalt  }
0x73: {  	_ =	shalt  }
0x74: {  	_ =	shalt  }
0x75: {  	_ =	shalt  }
0x76: {  	_ =	shalt  }
0x77: {  	_ =	shalt  }
0x78: {  	_ =	shalt  }
0x79: {  	_ =	shalt  }
0x7a: {  	_ =	shalt  }
0x7b: {  	_ =	shalt  }
0x7c: {  	_ =	shalt  }
0x7d: {  	_ =	shalt  }
0x7e: {  	_ =	shalt  }
0x7f: {  	_ =	shalt  }
0x80: {  	_ =	shalt  }
0x81: {  	_ =	shalt  }
0x82: {  	_ =	shalt  }
0x83: {  	_ =	shalt  }
0x84: {  	_ =	shalt  }
0x85: {  	_ =	shalt  }
0x86: {  	_ =	shalt  }
0x87: {  	_ =	shalt  }
.Lfunc_end0:
.L_simem_size_0:
called_computation.1_lowered:
.L_overlay_start_0:
0x88: {  	s2 =	sld [smem:$0x3FD9]  }
0x89: {  	s3 =	sld [smem:$0x3FFE];
	_ =	sdelay $0x1  }
0x8a: {  	s1 =	srdreg.scid  }
0x8b: {  	s0 =	sand.u32 $0x1, s1  }
0x8c: {  	s17 =	sshll.u32 s0, $0xA;
	s2 =	sadd.s32 s3, s2  }
0x8d: {  	s2 =	sadd.s32 s2, s17  }
0x8e: {  	[smem:$0x3FC6] =	sst s2  }
0x8f: {  	_ = 	snop  }
0x90: {  	s2 =	sld [smem:$0x3FD0];
	(tm) =	ssettm $0x1  }
0x91: {  	s18 =	sld [smem:$0x3FFB];
	_ =	sdelay $0x3  }
0x92: {  	_ =	strace s18  }
0x93: {  	s3 =	sld [smem:$0x3FFC];
	_ =	sdelay $0x3  }
0x94: {  	_ =	strace s3  }
0x95: {  	s3 =	sld [smem:$0x3FFD];
	_ =	sdelay $0x3  }
0x96: {  	_ =	strace s3  }
0x97: {  	_ =	strace $0x8FFFFFFF  }
0x98: {  	s19 =	sld [smem:$0x3FDB];
	_ =	sdelay $0x1  }
0x99: {  	s4 =	simm.s32 $_scs_section_size  }
0x9a: {  	s5 =	simm.s32 $_size__tile_overlayer_lowered;
	s6 =	simm.s32 $_tile_overlayer_lowered  }
0x9b: {  	s22 =	simm.s32 $0x1BFF;
	s21 =	sshll.u32 s6, $0x1;
	s3 =	sadd.s32 s4, s19  }
0x9c: {  	s7 =	simm.s32 $0x0;
	s20 =	sshll.u32 s5, $0x1;
	s5 =	sadd.s32 s21, s3  }
0x9d: {  	[timem:s7], [sflag:s22] =	dma.local [hbm:s5], s20  }
0x9e: {  	_ =	swait.ge [sflag:s22], s20  }
0x9f: {  	s4 =	ssub.s32 $0x0, s20;
	[sflag:s22] =	ssyncset.done $0x0  }
0xa0: {  	[sflag:s22] =	ssyncadd.s32 s4;
	_ =	sdelay $0x1  }
0xa1: {  	s23 =	simm.s32 $0x1B8B  }
0xa2: {  	_ =	swait.ge [sflag:s23], $0x1  }
0xa3: {  	[sflag:s23] =	ssyncset.done $0x0  }
0xa4: {  	s25 =	simm.s32 $0x1B8E;
	s24 =	sld [smem:$0x3FFE];
	[sflag:s23] =	ssyncadd.s32 $0xFFFFFFFF  }
0xa5: {  	s26 =	simm.s32 $execute0_lowered;
	[smem:$0x3FD2] =	sst s25  }
0xa6: {  	s5 =	sshll.u32 s26, $0x1;
	_ =	strace $0x80000046;
	[dreg:$0x1] =	wrdreg $0xFFFFFFFF  }
0xa7: {  	s28 =	simm.s32 $_size_execute0_lowered;
	s3 =	sadd.s32 s3, s5;
	[dreg:$0x0] =	wrdreg $0x0  }
0xa8: {  	s5 =	sshll.u32 s28, $0x1;
	[dreg:$0x2] =	wrdreg s3  }
0xa9: {  	[dreg:$0x3] =	wrdreg s5  }
0xaa: {  	[dreg:$0x4] =	wrdreg $0xC0  }
0xab: {  	_ =	task [dreg:s7], $0x5FFFF  }
0xac: {  	[dreg:$0x1] =	wrdreg $0xFFFFFFFF  }
0xad: {  	[dreg:$0x0] =	wrdreg $0x60  }
0xae: {  	[dreg:$0x2] =	wrdreg s24  }
0xaf: {  	[dreg:$0x3] =	wrdreg s2  }
0xb0: {  	[dreg:$0x4] =	wrdreg $0x9  }
0xb1: {  	_ =	task.clear_ibuf [dreg:s7], $0x5FFFF;
	_ =	strace $0x90000046  }
0xb2: {  	s29 =	simm.s32 $0x9;
	_ =	strace $0x80000048  }
0xb3: {  	_ =	swait.ge [sflag:s29], $0x1  }
0xb4: {  	[sflag:s29] =	ssyncadd.s32 $0xFFFFFFFF  }
0xb5: {  	_ =	strace $0x90000048  }
0xb6: {  	_ =	sfence  }
0xb7: {  	s30 =	sld [smem:$0x0];
	_ =	sdelay $0x2  }
0xb8: {  	s31 =	sshll.u32 s1, $0xD;
	s1 =	sshrl.u32 s1, $0x2  }
0xb9: {  	s3 =	sand.u32 $0x4000, s31;
	s1 =	sadd.s32 s1, s30  }
0xba: {  	s0 =	sor.u32 s3, s0;
	s1 =	sshll.u32 s1, $0x11  }
0xbb: {  	s0 =	sor.u32 s1, s0  }
0xbc: {  	s0 =	sadd.s32 $0x8F2B, s0  }
0xbd: {  	[sflag:s0] =	ssyncadd.remote.s32 $0x1  }
0xbe: {  	_ =	sfence.sel $0xFFFF  }
0xbf: {  	[dreg:$0x0] =	wrdreg $0xFFFFFFFF;
	(pc) =	sbr.abs _section_cstart, $3  }
0xc0: {  	[dreg:$0x1] =	wrdreg $0xFFFFFFFF  }
0xc1: {  	_ =	task.clear_ibuf [dreg:s7], $0x2FFFF;
	_ =	strace $0x9FFFFFFF  }
0xc2: {  	(tm) =	ssettm $0x7FFFFFFF  }
0xc3: {  	_ =	shalt  }
tec
execute0_lowered:
.L_overlay_start_1:
0x0: {  	(tag) =	ssettag $0x1  }
0x1: {  	s0 =	rddreg [dreg:$0x0];
	s1 =	srdreg.scid  }
0x2: {  	s8 =	stileid.u32;
	s4 =	rddreg [dreg:$0x1]  }
0x3: {  	s2 =	simm.s32 $0x0;
	s28 =	simm.s32 $0xA400;
	s1 =	sand.u32 $0x1, s1  }
0x4: {  	s3 =	sshll.u32 s8, $0x1;
	[smem:$0x7FF] =	sst s2;
	s8 =	smul.u32 $0x190000, s8  }
0x5: {  	s3 =	sor.u32 s1, s3;
	s7 =	ssub.s32 $0x2, s1;
	s1 =	smul.u32 $0xC8000, s1  }
0x6: {  	s29 =	simm.s32 $0x8;
	_ =	strace $0x80000047;
	s5 =	smul.u32 $0xC80, s3  }
0x7: {  	s30 =	simm.s32 $0x10;
	s6 =	smul.u32 $0xC8000, s3;
	s3 =	sadd.s32 $0xF42E00, s0  }
0x8: {  	s17 =	sshrl.u32 s7, $0x1;
	s1 =	sadd.s32 s1, s8;
	s5 =	sadd.s32 s5, s0  }
0x9: {  	s0 =	ssub.s32 s7, s17;
	s18 =	sshrl.u32 s6, $0x3;
	s20 =	sor.u32 $0x7000, s1  }
0xa: {  	s9 =	sor.u32 $0x6000, s1;
	s22 =	sor.u32 $0x5000, s1;
	s23 =	sor.u32 $0x4000, s1  }
0xb: {  	s24 =	sor.u32 $0x3000, s1;
	s26 =	sor.u32 $0x2000, s1;
	s31 =	sor.u32 $0x1000, s1  }
0xc: {  	s1 =	sshrl.u32 s1, $0x3;
	s5 =	sadd.s32 $0xA00, s5;
	s0 =	smax.u32 s0, $0x1  }
0xd: {  	s19 =	sadd.s32 s4, s18;
	s21 =	sshrl.u32 s9, $0x3;
	s25 =	sshrl.u32 s24, $0x3  }
0xe: {  	s17 =	sadd.s32 s1, s4;
	s1 =	simm.s32 $0xC400;
	[dreg:$0x3] =	wrdreg s5  }
0xf: {  	s24 =	simm.s32 $0x3;
	s18 =	simm.s32 $0xF;
	[dreg:$0x4] =	wrdreg s0  }
0x10: {  	s6 =	sadd.s32 $0x18200, s19;
	s7 =	sadd.s32 $0x18600, s19;
	s8 =	sadd.s32 $0x18A00, s19  }
0x11: {  	s5 =	sshrl.u32 s20, $0x3;
	s0 =	sadd.s32 $0x18E00, s19;
	s11 =	sadd.s32 s21, s4  }
0x12: {  	s14 =	sadd.s32 s25, s4;
	s19 =	simm.s32 $0x80;
	s21 =	simm.s32 $0xD400  }
.Ltmp0:
0x13: {  	s25 =	simm.s32 $0x5;
	[dreg:$0x5] =	wrdreg s0;
	(pc) =	sbr.rel .LBB2_1-.Ltmp0, $4  }
0x14: {  	s10 =	sadd.s32 s5, s4;
	s0 =	sshrl.u32 s22, $0x3;
	s5 =	sshrl.u32 s23, $0x3  }
0x15: {  	s22 =	simm.s32 $0x1;
	s12 =	sadd.s32 s0, s4;
	s13 =	sadd.s32 s5, s4  }
0x16: {  	s0 =	sshrl.u32 s26, $0x3;
	s5 =	sshrl.u32 s31, $0x3;
	s26 =	simm.s32 $0x7  }
0x17: {  	s15 =	sadd.s32 s0, s4;
	s16 =	sadd.s32 s5, s4;
	s4 =	simm.s32 $0x0  }
.LBB2_4:
0x18: {  	_ =	swait.ge [sflag:s29], $0x1000  }
0x19: {  	[sflag:s29] =	ssyncset.done $0x0  }
0x1a: {  	s31 =	simm.s32 $0x9;
	s0 =	rddreg [dreg:$0x5];
	[sflag:s29] =	ssyncadd.s32 $0xFFFFF000  }
0x1b: {  	[hbm4b:s0+s2] =	stream.linear.scatter [tilespmem:s21], [sflag:$0x10], $0x1000, $0x38;
	[tilespmem:$0xE400] =	vst v63  }
0x1c: {  	_ =	swait.ge [sflag:s31], $0x1000  }
0x1d: {  	[sflag:s31] =	ssyncset.done $0x0  }
0x1e: {  	s4 =	simm.s32 $0xA;
	[sflag:s31] =	ssyncadd.s32 $0xFFFFF000  }
0x1f: {  	_ =	swait.ge [sflag:s4], $0x1000  }
0x20: {  	[sflag:s4] =	ssyncset.done $0x0  }
0x21: {  	s5 =	simm.s32 $0xB;
	[sflag:s4] =	ssyncadd.s32 $0xFFFFF000  }
0x22: {  	_ =	swait.ge [sflag:s5], $0x1000  }
0x23: {  	[sflag:s5] =	ssyncset.done $0x0  }
0x24: {  	s9 =	simm.s32 $0xC;
	[sflag:s5] =	ssyncadd.s32 $0xFFFFF000  }
0x25: {  	_ =	swait.ge [sflag:s9], $0x1000  }
0x26: {  	[sflag:s9] =	ssyncset.done $0x0  }
0x27: {  	s20 =	simm.s32 $0xD;
	[sflag:s9] =	ssyncadd.s32 $0xFFFFF000  }
0x28: {  	_ =	swait.ge [sflag:s20], $0x1000  }
0x29: {  	[sflag:s20] =	ssyncset.done $0x0  }
0x2a: {  	s23 =	simm.s32 $0xE;
	[sflag:s20] =	ssyncadd.s32 $0xFFFFF000  }
0x2b: {  	_ =	swait.ge [sflag:s23], $0x1000  }
0x2c: {  	[sflag:s23] =	ssyncset.done $0x0  }
0x2d: {  	[sflag:s23] =	ssyncadd.s32 $0xFFFFF000  }
0x2e: {  	_ =	swait.ge [sflag:s18], $0x1000  }
0x2f: {  	[sflag:s18] =	ssyncset.done $0x0  }
0x30: {  	[sflag:s18] =	ssyncadd.s32 $0xFFFFF000  }
0x31: {  	_ =	swait.ge [sflag:s30], $0x1000  }
0x32: {  	s4 =	rddreg [dreg:$0x6]  }
0x33: {  	s31 =	rddreg [dreg:$0x4];
	s4 =	sadd.s32 $0x1, s4  }
0x34: {  	p0 =	sne.s32 s4, s31  }
.Ltmp1:
0x35: {  	_ = 	snop;
	(pc) =	sbr.rel @!p0 .LBB2_5-.Ltmp1, $3  }
0x36: {  	_ =	sdelay $0x1  }
0x37: {  	[sflag:s30] =	ssyncset.done $0x0  }
0x38: {  	[sflag:s30] =	ssyncadd.s32 $0xFFFFF000  }
.LBB2_1:
0x39: {  	[dreg:$0x6] =	wrdreg s4  }
0x3a: {  	s0 =	rddreg [dreg:$0x3];
	s31 =	simm.s32 $0x11  }
0x3b: {  	[tilespmem:s2], [sflag:$0x11] =	stream.linear.gather [hbm4b:s0+s2], $0x6400, $0x38;
	[tilespmem:$0xE400] =	vst v63  }
0x3c: {  	_ =	swait.ge [sflag:s31], $0x6400  }
0x3d: {  	[sflag:s31] =	ssyncset.done $0x0  }
0x3e: {  	s4 =	simm.s32 $0x6400;
	[sflag:s31] =	ssyncadd.s32 $0xFFFF9C00  }
0x3f: {  	[tilespmem:s4], [sflag:$0x1] =	stream.indirect.gather [hbm4b:s3+s19], $0x20, s2, s19, $0xb8;
	[tilespmem:$0xE400] =	vst v63  }
0x40: {  	s5 =	simm.s32 $0x7400  }
0x41: {  	[tilespmem:s5], [sflag:$0x2] =	stream.indirect.gather [hbm4b:s3+s19], $0x20, s19, s19, $0xb8;
	[tilespmem:$0xE400] =	vst v63  }
0x42: {  	s9 =	simm.s32 $0x100;
	s20 =	simm.s32 $0x8400  }
0x43: {  	[tilespmem:s20], [sflag:$0x3] =	stream.indirect.gather [hbm4b:s3+s19], $0x20, s9, s19, $0xb8;
	[tilespmem:$0xE400] =	vst v63  }
0x44: {  	s23 =	simm.s32 $0x180;
	s31 =	simm.s32 $0x9400  }
0x45: {  	[tilespmem:s31], [sflag:$0x4] =	stream.indirect.gather [hbm4b:s3+s19], $0x20, s23, s19, $0xb8;
	[tilespmem:$0xE400] =	vst v63  }
0x46: {  	s5 =	simm.s32 $0x200  }
0x47: {  	[tilespmem:s28], [sflag:$0x5] =	stream.indirect.gather [hbm4b:s3+s19], $0x20, s5, s19, $0xb8;
	[tilespmem:$0xE400] =	vst v63  }
0x48: {  	s9 =	simm.s32 $0x280;
	s20 =	simm.s32 $0xB400  }
0x49: {  	[tilespmem:s20], [sflag:$0x6] =	stream.indirect.gather [hbm4b:s3+s19], $0x20, s9, s19, $0xb8;
	[tilespmem:$0xE400] =	vst v63  }
0x4a: {  	s23 =	simm.s32 $0x300  }
0x4b: {  	[tilespmem:s1], [sflag:$0x7] =	stream.indirect.gather [hbm4b:s3+s19], $0x20, s23, s19, $0xb8;
	[tilespmem:$0xE400] =	vst v63  }
0x4c: {  	s0 =	simm.s32 $0x0;
	s31 =	simm.s32 $0x380  }
0x4d: {  	[tilespmem:s21], [sflag:$0x8] =	stream.indirect.gather [hbm4b:s3+s19], $0x20, s31, s19, $0xb8;
	[tilespmem:$0xE400] =	vst v63  }
.LBB2_2:
0x4e: {  	_ =	swait.ge [sflag:s22], $0x1000  }
0x4f: {  	s4 =	sadd.s32 s0, s17;
	[sflag:s22] =	ssyncset.done $0x0  }
0x50: {  	s5 =	simm.s32 $0x6400;
	p0 =	seq.s32 s0, $0x18000;
	[sflag:s22] =	ssyncadd.s32 $0xFFFFF000  }
0x51: {  	[hbm4b:s4+s2] =	stream.linear.scatter [tilespmem:s5], [sflag:$0x9], $0x1000, $0x38;
	[tilespmem:$0xE400] =	vst v63  }
0x52: {  	s4 =	simm.s32 @p0 $0x2  }
0x53: {  	_ =	swait.ge @p0 [sflag:s4], $0x1000  }
0x54: {  	[sflag:s4] =	ssyncset.done @p0 $0x0  }
0x55: {  	s9 =	simm.s32 @p0 $0x0;
	[sflag:s4] =	ssyncadd.s32 @p0 $0xFFFFF000;
	s4 =	simm.s32 @p0 $0x7400  }
0x56: {  	[hbm4b:s6+s9] =	stream.linear.scatter @p0 [tilespmem:s4], [sflag:$0xA], $0x1000, $0x38;
	[tilespmem:$0xE400] =	vst v63  }
0x57: {  	s4 =	simm.s32 @!p0 $0x9  }
0x58: {  	_ =	swait.ge @!p0 [sflag:s4], $0x1000  }
0x59: {  	[sflag:s4] =	ssyncset.done @!p0 $0x0  }
0x5a: {  	[sflag:s4] =	ssyncadd.s32 @!p0 $0xFFFFF000;
	s4 =	sshra.s32 @!p0 s0, $0x2  }
0x5b: {  	s20 =	simm.s32 @!p0 $0x6400;
	s5 =	simm.s32 @!p0 $0x80;
	s31 =	sadd.s32 @!p0 $0x400, s4  }
0x5c: {  	[tilespmem:s20], [sflag:$0x1] =	stream.indirect.gather @!p0 [hbm4b:s3+s5], $0x20, s31, s5, $0xb8;
	[tilespmem:$0xE400] =	vst v63  }
0x5d: {  	s20 =	simm.s32 @!p0 $0x2  }
0x5e: {  	_ =	swait.ge @!p0 [sflag:s20], $0x1000  }
0x5f: {  	s23 =	simm.s32 @!p0 $0x7400;
	[sflag:s20] =	ssyncset.done @!p0 $0x0  }
0x60: {  	s31 =	simm.s32 @!p0 $0x0;
	[sflag:s20] =	ssyncadd.s32 @!p0 $0xFFFFF000;
	s20 =	sadd.s32 @!p0 s0, s16  }
0x61: {  	[hbm4b:s20+s31] =	stream.linear.scatter @!p0 [tilespmem:s23], [sflag:$0xA], $0x1000, $0x38;
	[tilespmem:$0xE400] =	vst v63  }
0x62: {  	s20 =	simm.s32 @!p0 $0xA  }
0x63: {  	_ =	swait.ge @!p0 [sflag:s20], $0x1000  }
0x64: {  	[sflag:s20] =	ssyncset.done @!p0 $0x0  }
0x65: {  	[sflag:s20] =	ssyncadd.s32 @!p0 $0xFFFFF000;
	s20 =	sadd.s32 @!p0 $0x480, s4  }
0x66: {  	[tilespmem:s23], [sflag:$0x2] =	stream.indirect.gather @!p0 [hbm4b:s3+s5], $0x20, s20, s5, $0xb8;
	[tilespmem:$0xE400] =	vst v63  }
0x67: {  	_ =	swait.ge [sflag:s24], $0x1000  }
0x68: {  	[sflag:s24] =	ssyncset.done $0x0  }
0x69: {  	s20 =	sadd.s32 s0, s15;
	s23 =	simm.s32 $0x8400;
	[sflag:s24] =	ssyncadd.s32 $0xFFFFF000  }
0x6a: {  	[hbm4b:s20+s2] =	stream.linear.scatter [tilespmem:s23], [sflag:$0xB], $0x1000, $0x38;
	[tilespmem:$0xE400] =	vst v63  }
0x6b: {  	s20 =	simm.s32 @p0 $0x4  }
0x6c: {  	_ =	swait.ge @p0 [sflag:s20], $0x1000  }
0x6d: {  	[sflag:s20] =	ssyncset.done @p0 $0x0  }
0x6e: {  	[sflag:s20] =	ssyncadd.s32 @p0 $0xFFFFF000;
	s20 =	simm.s32 @p0 $0x9400  }
0x6f: {  	[hbm4b:s7+s9] =	stream.linear.scatter @p0 [tilespmem:s20], [sflag:$0xC], $0x1000, $0x38;
	[tilespmem:$0xE400] =	vst v63  }
0x70: {  	s20 =	simm.s32 @!p0 $0xB  }
0x71: {  	_ =	swait.ge @!p0 [sflag:s20], $0x1000  }
0x72: {  	[sflag:s20] =	ssyncset.done @!p0 $0x0  }
0x73: {  	s23 =	simm.s32 @!p0 $0x8400;
	[sflag:s20] =	ssyncadd.s32 @!p0 $0xFFFFF000;
	s20 =	sadd.s32 @!p0 $0x500, s4  }
0x74: {  	[tilespmem:s23], [sflag:$0x3] =	stream.indirect.gather @!p0 [hbm4b:s3+s5], $0x20, s20, s5, $0xb8;
	[tilespmem:$0xE400] =	vst v63  }
0x75: {  	s20 =	simm.s32 @!p0 $0x4  }
0x76: {  	_ =	swait.ge @!p0 [sflag:s20], $0x1000  }
0x77: {  	[sflag:s20] =	ssyncset.done @!p0 $0x0  }
0x78: {  	s23 =	simm.s32 @!p0 $0x9400;
	[sflag:s20] =	ssyncadd.s32 @!p0 $0xFFFFF000;
	s20 =	sadd.s32 @!p0 s0, s14  }
0x79: {  	[hbm4b:s20+s31] =	stream.linear.scatter @!p0 [tilespmem:s23], [sflag:$0xC], $0x1000, $0x38;
	[tilespmem:$0xE400] =	vst v63  }
0x7a: {  	s20 =	simm.s32 @!p0 $0xC  }
0x7b: {  	_ =	swait.ge @!p0 [sflag:s20], $0x1000  }
0x7c: {  	[sflag:s20] =	ssyncset.done @!p0 $0x0  }
0x7d: {  	[sflag:s20] =	ssyncadd.s32 @!p0 $0xFFFFF000;
	s20 =	sadd.s32 @!p0 $0x580, s4  }
0x7e: {  	[tilespmem:s23], [sflag:$0x4] =	stream.indirect.gather @!p0 [hbm4b:s3+s5], $0x20, s20, s5, $0xb8;
	[tilespmem:$0xE400] =	vst v63  }
0x7f: {  	_ =	swait.ge [sflag:s25], $0x1000  }
0x80: {  	[sflag:s25] =	ssyncset.done $0x0  }
0x81: {  	s23 =	sadd.s32 s0, s13;
	s20 =	simm.s32 @p0 $0x6;
	[sflag:s25] =	ssyncadd.s32 $0xFFFFF000  }
0x82: {  	[hbm4b:s23+s2] =	stream.linear.scatter [tilespmem:s28], [sflag:$0xD], $0x1000, $0x38;
	[tilespmem:$0xE400] =	vst v63  }
0x83: {  	_ =	swait.ge @p0 [sflag:s20], $0x1000  }
0x84: {  	[sflag:s20] =	ssyncset.done @p0 $0x0  }
0x85: {  	[sflag:s20] =	ssyncadd.s32 @p0 $0xFFFFF000;
	s20 =	simm.s32 @p0 $0xB400  }
0x86: {  	[hbm4b:s8+s9] =	stream.linear.scatter @p0 [tilespmem:s20], [sflag:$0xE], $0x1000, $0x38;
	[tilespmem:$0xE400] =	vst v63  }
0x87: {  	s9 =	simm.s32 @!p0 $0xD  }
0x88: {  	_ =	swait.ge @!p0 [sflag:s9], $0x1000  }
0x89: {  	[sflag:s9] =	ssyncset.done @!p0 $0x0  }
0x8a: {  	s20 =	simm.s32 @!p0 $0xA400;
	[sflag:s9] =	ssyncadd.s32 @!p0 $0xFFFFF000;
	s9 =	sadd.s32 @!p0 $0x600, s4  }
0x8b: {  	[tilespmem:s20], [sflag:$0x5] =	stream.indirect.gather @!p0 [hbm4b:s3+s5], $0x20, s9, s5, $0xb8;
	[tilespmem:$0xE400] =	vst v63  }
0x8c: {  	s9 =	simm.s32 @!p0 $0x6  }
0x8d: {  	_ =	swait.ge @!p0 [sflag:s9], $0x1000  }
0x8e: {  	[sflag:s9] =	ssyncset.done @!p0 $0x0  }
0x8f: {  	s20 =	simm.s32 @!p0 $0xB400;
	[sflag:s9] =	ssyncadd.s32 @!p0 $0xFFFFF000;
	s9 =	sadd.s32 @!p0 s0, s12  }
0x90: {  	[hbm4b:s9+s31] =	stream.linear.scatter @!p0 [tilespmem:s20], [sflag:$0xE], $0x1000, $0x38;
	[tilespmem:$0xE400] =	vst v63  }
0x91: {  	s9 =	simm.s32 @!p0 $0xE  }
0x92: {  	_ =	swait.ge @!p0 [sflag:s9], $0x1000  }
0x93: {  	[sflag:s9] =	ssyncset.done @!p0 $0x0  }
0x94: {  	s4 =	sadd.s32 @!p0 $0x680, s4;
	[sflag:s9] =	ssyncadd.s32 @!p0 $0xFFFFF000  }
0x95: {  	[tilespmem:s20], [sflag:$0x6] =	stream.indirect.gather @!p0 [hbm4b:s3+s5], $0x20, s4, s5, $0xb8;
	[tilespmem:$0xE400] =	vst v63  }
.Ltmp2:
0x96: {  	_ = 	snop;
	(pc) =	sbr.rel @p0 .LBB2_4-.Ltmp2, $4  }
0x97: {  	_ =	swait.ge [sflag:s26], $0x1000  }
0x98: {  	[sflag:s26] =	ssyncset.done $0x0  }
0x99: {  	s31 =	sadd.s32 s0, s11;
	[sflag:s26] =	ssyncadd.s32 $0xFFFFF000  }
0x9a: {  	[hbm4b:s31+s2] =	stream.linear.scatter [tilespmem:s1], [sflag:$0xF], $0x1000, $0x38;
	[tilespmem:$0xE400] =	vst v63  }
0x9b: {  	_ =	swait.ge [sflag:s18], $0x1000  }
0x9c: {  	s4 =	sshra.s32 s0, $0x2;
	[sflag:s18] =	ssyncset.done $0x0  }
0x9d: {  	s5 =	sadd.s32 $0x700, s4;
	[sflag:s18] =	ssyncadd.s32 $0xFFFFF000  }
0x9e: {  	[tilespmem:s1], [sflag:$0x7] =	stream.indirect.gather [hbm4b:s3+s19], $0x20, s5, s19, $0xb8;
	[tilespmem:$0xE400] =	vst v63  }
0x9f: {  	_ =	swait.ge [sflag:s29], $0x1000  }
0xa0: {  	[sflag:s29] =	ssyncset.done $0x0  }
0xa1: {  	s31 =	sadd.s32 s0, s10;
	[sflag:s29] =	ssyncadd.s32 $0xFFFFF000  }
0xa2: {  	[hbm4b:s31+s2] =	stream.linear.scatter [tilespmem:s21], [sflag:$0x10], $0x1000, $0x38;
	[tilespmem:$0xE400] =	vst v63  }
.Ltmp3:
0xa3: {  	_ = 	snop;
	(pc) =	sbr.rel .LBB2_2-.Ltmp3, $4  }
0xa4: {  	_ =	swait.ge [sflag:s30], $0x1000  }
0xa5: {  	[sflag:s30] =	ssyncset.done $0x0  }
0xa6: {  	s0 =	sadd.s32 $0x1000, s0;
	s4 =	sadd.s32 $0x780, s4;
	[sflag:s30] =	ssyncadd.s32 $0xFFFFF000  }
0xa7: {  	[tilespmem:s21], [sflag:$0x8] =	stream.indirect.gather [hbm4b:s3+s19], $0x20, s4, s19, $0xb8;
	[tilespmem:$0xE400] =	vst v63  }
.LBB2_5:
0xa8: {  	_ =	sfence.sel $0x180000  }
0xa9: {  	[bflag:$0x0] =	sbarrier.arrive $0xFFFF  }
0xaa: {  	_ =	strace $0x90000047  }
0xab: {  	s0 =	stileid.u32;
	[bflag:$0x2] =	sbarrier.arrive $0xFFFF  }
0xac: {  	p0 =	sne.s32 s0, $0x0;
	s0 =	rddreg [dreg:$0x2]  }
0xad: {  	s0 =	sadd.s32 @!p0 $0x100000, s0  }
0xae: {  	[sflag:s0] =	ssyncadd.tile.s32 @!p0 $0x1;
	_ =	shalt  }
.Lfunc_end2:
_tile_overlayer_lowered:
.L_overlay_start_2:
0xaf: {  	(tag) =	ssettag $0x2  }
0xb0: {  	s0 =	rddreg [dreg:$0x0];
	s2 =	stileid.u32  }
0xb1: {  	s1 =	rddreg [dreg:$0x1];
	p0 =	sne.s32 s2, $0x0  }
0xb2: {  	s3 =	rddreg [dreg:$0x2];
	[bflag:$0x3] =	sbarrier.arrive $0xFFFF;
	s2 =	simm.s32 @!p0 $0x1C11  }
0xb3: {  	[timem:s3], [sflag:s2] =	dma.local @!p0 [hbm:s0], s1  }
0xb4: {  	s0 =	simm.s32 @!p0 $0x11  }
0xb5: {  	_ =	swait.ge @!p0 [sflag:s0], s1  }
0xb6: {  	s1 =	ssub.s32 @!p0 $0x0, s1;
	[sflag:s0] =	ssyncset.done @!p0 $0x0  }
0xb7: {  	[sflag:s0] =	ssyncadd.s32 @!p0 s1  }
0xb8: {  	[bflag:$0x3] =	sbarrier.arrive $0xFFFF  }
0xb9: {  	_ =	shalt  }

// kernel: sparse-core-data-format-call.cloned.1.call-start
scs
called_computation_lowered:
.L_overlay_start_0:
0x0: {  	s2 =	sld [smem:$0x3FD9]  }
0x1: {  	s3 =	sld [smem:$0x3FFE];
	_ =	sdelay $0x1  }
0x2: {  	s1 =	srdreg.scid  }
0x3: {  	s0 =	sand.u32 $0x1, s1  }
0x4: {  	s18 =	sshll.u32 s0, $0xA;
	s2 =	sadd.s32 s3, s2  }
0x5: {  	s2 =	sadd.s32 s2, s18  }
0x6: {  	[smem:$0x3FC6] =	sst s2  }
0x7: {  	_ = 	snop  }
0x8: {  	s2 =	sld [smem:$0x3FD0];
	(tm) =	ssettm $0x1  }
0x9: {  	s19 =	sld [smem:$0x3FFB];
	_ =	sdelay $0x3  }
0xa: {  	_ =	strace s19  }
0xb: {  	s3 =	sld [smem:$0x3FFC];
	_ =	sdelay $0x3  }
0xc: {  	_ =	strace s3  }
0xd: {  	s3 =	sld [smem:$0x3FFD];
	_ =	sdelay $0x3  }
0xe: {  	_ =	strace s3  }
0xf: {  	_ =	strace $0x8FFFFFFF  }
0x10: {  	s20 =	sld [smem:$0x3FDB];
	_ =	sdelay $0x1  }
0x11: {  	s4 =	simm.s32 $_scs_section_size  }
0x12: {  	s5 =	simm.s32 $_size__tile_overlayer_lowered;
	s6 =	simm.s32 $_tile_overlayer_lowered  }
0x13: {  	s23 =	simm.s32 $0x1BFF;
	s22 =	sshll.u32 s6, $0x1;
	s3 =	sadd.s32 s4, s20  }
0x14: {  	s7 =	simm.s32 $0x0;
	s21 =	sshll.u32 s5, $0x1;
	s5 =	sadd.s32 s22, s3  }
0x15: {  	[timem:s7], [sflag:s23] =	dma.local [hbm:s5], s21  }
0x16: {  	_ =	swait.ge [sflag:s23], s21  }
0x17: {  	s4 =	ssub.s32 $0x0, s21;
	[sflag:s23] =	ssyncset.done $0x0  }
0x18: {  	[sflag:s23] =	ssyncadd.s32 s4;
	_ =	sdelay $0x1  }
0x19: {  	s24 =	simm.s32 $0x1B8B  }
0x1a: {  	_ =	swait.ge [sflag:s24], $0x1  }
0x1b: {  	[sflag:s24] =	ssyncset.done $0x0  }
0x1c: {  	s26 =	simm.s32 $0x1B8E;
	s25 =	sld [smem:$0x3FFE];
	[sflag:s24] =	ssyncadd.s32 $0xFFFFFFFF  }
0x1d: {  	s27 =	simm.s32 $execute0_lowered;
	[smem:$0x3FD2] =	sst s26  }
0x1e: {  	s5 =	sshll.u32 s27, $0x1;
	_ =	strace $0x80000049;
	[dreg:$0x1] =	wrdreg $0xFFFFFFFF  }
0x1f: {  	s28 =	simm.s32 $_size_execute0_lowered;
	s3 =	sadd.s32 s3, s5;
	[dreg:$0x0] =	wrdreg $0x0  }
0x20: {  	s5 =	sshll.u32 s28, $0x1;
	[dreg:$0x2] =	wrdreg s3  }
0x21: {  	[dreg:$0x3] =	wrdreg s5  }
0x22: {  	[dreg:$0x4] =	wrdreg $0xC0  }
0x23: {  	_ =	task [dreg:s7], $0x5FFFF  }
0x24: {  	[dreg:$0x1] =	wrdreg $0xFFFFFFFF  }
0x25: {  	[dreg:$0x0] =	wrdreg $0x60  }
0x26: {  	[dreg:$0x2] =	wrdreg s25  }
0x27: {  	[dreg:$0x3] =	wrdreg s2  }
0x28: {  	[dreg:$0x4] =	wrdreg $0x9  }
0x29: {  	_ =	task.clear_ibuf [dreg:s7], $0x5FFFF;
	_ =	strace $0x90000049  }
0x2a: {  	s29 =	simm.s32 $0x9;
	_ =	strace $0x8000004B  }
0x2b: {  	_ =	swait.ge [sflag:s29], $0x1  }
0x2c: {  	[sflag:s29] =	ssyncadd.s32 $0xFFFFFFFF  }
0x2d: {  	_ =	strace $0x9000004B  }
0x2e: {  	_ =	sfence  }
0x2f: {  	s30 =	sld [smem:$0x0];
	_ =	sdelay $0x2  }
0x30: {  	s31 =	sshll.u32 s1, $0xD;
	s1 =	sshrl.u32 s1, $0x2  }
0x31: {  	s3 =	sand.u32 $0x4000, s31;
	s1 =	sadd.s32 s1, s30  }
0x32: {  	s0 =	sor.u32 s3, s0;
	s1 =	sshll.u32 s1, $0x11  }
0x33: {  	s0 =	sor.u32 s1, s0  }
0x34: {  	s0 =	sadd.s32 $0x8F2B, s0  }
0x35: {  	[sflag:s0] =	ssyncadd.remote.s32 $0x1  }
0x36: {  	_ =	sfence.sel $0xFFFF  }
0x37: {  	[dreg:$0x0] =	wrdreg $0xFFFFFFFF;
	(pc) =	sbr.abs _section_cstart, $3  }
0x38: {  	[dreg:$0x1] =	wrdreg $0xFFFFFFFF  }
0x39: {  	_ =	task.clear_ibuf [dreg:s7], $0x2FFFF;
	_ =	strace $0x9FFFFFFF  }
0x3a: {  	(tm) =	ssettm $0x7FFFFFFF  }
0x3b: {  	_ =	shalt  }
tec
execute0_lowered:
.L_overlay_start_1:
0x0: {  	(tag) =	ssettag $0x1  }
0x1: {  	s0 =	srdreg.scid  }
0x2: {  	s1 =	sshll.u32 s0, $0x4  }
0x3: {  	s0 =	stileid.u32;
	s1 =	sand.u32 $0x10, s1  }
0x4: {  	s1 =	sor.u32 s0, s1  }
0x5: {  	s6 =	rddreg [dreg:$0x0];
	s4 =	simm.s32 $0x1;
	s2 =	sshll.u32 s1, $0x7  }
0x6: {  	s7 =	simm.s32 $0x2;
	s12 =	simm.s32 $0x0;
	s1 =	ssub.s32 $0x1000, s2  }
0x7: {  	s8 =	simm.s32 $0x8000;
	s13 =	simm.s32 $0x0;
	s3 =	sand.u32 $0xF80, s1  }
0x8: {  	s9 =	simm.s32 $0x0;
	s5 =	sshrl.u32 s1, $0xC;
	p0 =	sne.s32 s3, $0x0  }
.Ltmp0:
0x9: {  	s1 =	rddreg [dreg:$0x2];
	s4 =	simm.s32 @!p0 $0x0;
	(pc) =	sbr.rel .LBB1_1-.Ltmp0, $4  }
0xa: {  	s11 =	simm.s32 $0x0;
	s3 =	rddreg [dreg:$0x1];
	s5 =	sadd.s32 s4, s5  }
0xb: {  	_ =	strace $0x8000004A;
	s4 =	simm.s32 $0x1;
	s5 =	smul.u32 $0xC8, s5  }
0xc: {  	s6 =	sadd.s32 $0xA00, s6;
	s10 =	smov.u32 s2;
	[sflag:s4] =	ssyncpa.u1 $0x0  }
0xd: {  	p0 =	por $0x0, $0x0;
	[sflag:s7] =	ssyncpa.u1 $0x0;
	s7 =	sor.u32 $0x1, s5  }
.LBB1_4:
0xe: {  	s16 =	sshll.u32 s13, $0x3;
	s17 =	sand.u32 $0x78, s13  }
0xf: {  	s30 =	sand.u32 $0x3E00, s13;
	s12 =	sshll.u32 s12, $0xE;
	s16 =	sand.u32 $0xC00, s16  }
0x10: {  	s31 =	sand.u32 $0x7, s13;
	s16 =	sor.u32 s17, s16;
	s17 =	sadd.s32 s3, s30  }
0x11: {  	s13 =	sshll.u32 s31, $0x12;
	s16 =	sshrl.u32 s16, $0x3;
	s12 =	sadd.s32 s12, s17  }
0x12: {  	[tilespmem:s15+$0x0 ss:$0x81] =	vst.msk $0xffff, v0;
	s13 =	sor.u32 $0x400, s13;
	s12 =	sadd.s32 s16, s12  }
0x13: {  	[hbm4b:s12+s13] =	stream.strided.scatter [tilespmem:s14], [sflag:$0x2], $0x1000, s8, s13, $0x20;
	[tilespmem:$0x4040] =	vst v63  }
.LBB1_5:
0x14: {  	s14 =	sadd.s32 $0x1, s9  }
0x15: {  	s12 =	sadd.s32 $0x1000, s10;
	s16 =	smov.u32 s10;
	p2 =	sgt.s32 s14, $0xC7  }
0x16: {  	s16 =	smov.u32 @p2 s12  }
0x17: {  	s14 =	simm.s32 @p2 $0x0;
	p2 =	sgt.s32 s16, $0xFFF  }
0x18: {  	s16 =	smov.u32 @p2 s2;
	p2 =	sne.s32 s11, s7  }
.Ltmp1:
0x19: {  	p1 =	slt.u32 s11, $0x2;
	(pc) =	sbr.rel @!p2 .LBB1_6-.Ltmp1, $4  }
0x1a: {  	s15 =	simm.s32 @!p1 $0x2  }
0x1b: {  	s13 =	smov.u32 s10;
	p0 =	por !p0, !p0;
	_ =	swait.ge @!p1 [sflag:s15], $0x1000  }
0x1c: {  	s12 =	smov.u32 s9;
	[sflag:s15] =	ssyncset.done @!p1 $0x0;
	s9 =	smov.u32 s14  }
0x1d: {  	s11 =	sadd.s32 $0x1, s11;
	[sflag:s15] =	ssyncadd.s32 @!p1 $0xFFFFF000;
	s10 =	smov.u32 s16  }
.LBB1_1:
0x1e: {  	p1 =	sge.u32 s11, s5  }
0x1f: {  	s14 =	sand.u32 @!p1 $0x1FFFFFF, s9  }
0x20: {  	s15 =	smulhi.u32 @!p1 $0x147AE15, s14;
	_ =	sdelay $0x1  }
0x21: {  	s15 =	smul.u32 @!p1 $0xC8, s15  }
0x22: {  	s16 =	sxor.u32 @!p1 $0xFFFFFFFF, s11;
	s17 =	smul.u32 @!p1 $0xC80, s10  }
0x23: {  	s31 =	sadd.s32 $0xFFFFFFFF, s11;
	s16 =	sshll.u32 @!p1 s16, $0xC;
	s14 =	ssub.s32 @!p1 s14, s15  }
0x24: {  	s15 =	sand.u32 @!p1 $0x1000, s16;
	s16 =	sadd.s32 @!p1 s6, s17;
	s14 =	sshll.u32 @!p1 s14, $0x4  }
0x25: {  	s17 =	simm.s32 @!p1 $0x6400;
	s14 =	sadd.s32 @!p1 s14, s16;
	s16 =	simm.s32 @!p1 $0x20  }
0x26: {  	[tilespmem:s15], [sflag:$0x1] =	stream.strided.gather @!p1 [hbm4b:s14+s16], $0x1000, s17, s16, $0x38;
	[tilespmem:$0x4040] =	vst v63  }
0x27: {  	p1 =	sge.u32 s31, s5  }
.Ltmp2:
0x28: {  	_ = 	snop;
	(pc) =	sbr.rel @p1 .LBB1_5-.Ltmp2, $1  }
0x29: {  	_ =	sdelay $0x3  }
0x2a: {  	s14 =	simm.s32 $0x1  }
0x2b: {  	_ =	swait.ge [sflag:s4], $0x1000;
	s14 =	simm.s32 @!p0 $0x0  }
0x2c: {  	[sflag:s4] =	ssyncset.done $0x0;
	s15 =	sshll.u32 s14, $0xC  }
0x2d: {  	[sflag:s4] =	ssyncadd.s32 $0xFFFFF000;
	s18 =	sor.u32 $0x10, s15  }
0x2e: {  	s14 =	smul.u32 $0x4080, s14;
	v1 =	vld [tilespmem:s18+$0x0]  }
0x2f: {  	s30 =	sand.u32 $0x1, s11;
	v0 =	vld [tilespmem:s18+$0xFFFFFFF0]  }
0x30: {  	s15 =	smul.u32 $0x4080, s30;
	s14 =	sshrl.u32 s14, $0x2  }
0x31: {  	s16 =	sor.u32 $0x2000, s14  }
0x32: {  	s31 =	sshrl.u32 s15, $0x2;
	s15 =	sadd.s32 $0x0, s16  }
0x33: {  	s17 =	simm.s32 $0x4;
	s18 =	sadd.s32 $0x20, s18;
	s14 =	sor.u32 $0x2000, s31;
	[tilespmem:s15+$0x810 ss:$0x81] =	vst.msk $0xffff, v1  }
.LBB1_3:
0x34: {  	v1 =	vld [tilespmem:s18+$0x0];
	p1 =	sne.s32 s17, $0x1FC;
	[tilespmem:s15+$0x0 ss:$0x81] =	vst.msk $0xffff, v0;
	s15 =	smov.u32 s17;
	s17 =	sadd.s32 $0x4, s17  }
.Ltmp3:
0x35: {  	v0 =	vld [tilespmem:s18+$0xFFFFFFF0];
	(pc) =	sbr.rel @p1 .LBB1_3-.Ltmp3, $4  }
0x36: {  	_ = 	snop  }
0x37: {  	s15 =	sshra.s32 s15, $0x2  }
0x38: {  	s15 =	sadd.s32 s15, s16  }
0x39: {  	s18 =	sadd.s32 $0x20, s18;
	[tilespmem:s15+$0x810 ss:$0x81] =	vst.msk $0xffff, v1  }
.Ltmp4:
0x3a: {  	_ = 	snop;
	(pc) =	sbr.rel .LBB1_4-.Ltmp4, $1  }
0x3b: {  	_ =	sdelay $0x3  }
.LBB1_6:
0x3c: {  	_ =	sfence.sel $0x180000  }
0x3d: {  	s2 =	simm.s32 $0x1;
	[bflag:$0x0] =	sbarrier.arrive $0xFFFF  }
0x3e: {  	s31 =	simm.s32 $0x2;
	[sflag:s2] =	ssyncpa.u1 $0x1  }
0x3f: {  	[sflag:s31] =	ssyncpa.u1 $0x1  }
0x40: {  	p0 =	sne.s32 s0, $0x0;
	_ =	strace $0x9000004A  }
0x41: {  	s0 =	sadd.s32 @!p0 $0x100000, s1;
	[bflag:$0x2] =	sbarrier.arrive $0xFFFF  }
0x42: {  	[sflag:s0] =	ssyncadd.tile.s32 @!p0 $0x1;
	_ =	shalt  }
.Lfunc_end1:
_tile_overlayer_lowered:
.L_overlay_start_2:
0x43: {  	(tag) =	ssettag $0x2  }
0x44: {  	s0 =	rddreg [dreg:$0x0];
	s2 =	stileid.u32  }
0x45: {  	s1 =	rddreg [dreg:$0x1];
	p0 =	sne.s32 s2, $0x0  }
0x46: {  	s3 =	rddreg [dreg:$0x2];
	[bflag:$0x3] =	sbarrier.arrive $0xFFFF;
	s2 =	simm.s32 @!p0 $0x1C01  }
0x47: {  	[timem:s3], [sflag:s2] =	dma.local @!p0 [hbm:s0], s1  }
0x48: {  	s0 =	simm.s32 @!p0 $0x1  }
0x49: {  	_ =	swait.ge @!p0 [sflag:s0], s1  }
0x4a: {  	s1 =	ssub.s32 @!p0 $0x0, s1;
	[sflag:s0] =	ssyncset.done @!p0 $0x0  }
0x4b: {  	[sflag:s0] =	ssyncadd.s32 @!p0 s1  }
0x4c: {  	[bflag:$0x3] =	sbarrier.arrive $0xFFFF  }
0x4d: {  	_ =	shalt  }

</sc_bundles>
